<compile_context>
chip_gen: v7x
topology: tpu7x:2x2x1
jax: 0.10.2.dev20260603
libtpu: 0.0.44.dev20260713+nightly
codegen_flags: <defaults>
</compile_context>

<pallas_src>
import functools

import jax
import jax.numpy as jnp
from jax import lax
from jax.experimental import pallas as pl
from jax.experimental.pallas import tpu as pltpu
from jax.experimental.pallas import tpu_sc as plsc

NC = 2
NS = 16
L = 16
NWK = NC * NS
ALPHA = 0.2
CK = 80
ER = 2500
EC = 128
EBLK = 2500
PR = 8


def _mesh():
    return plsc.VectorSubcoreMesh(
        core_axis_name="c", subcore_axis_name="s", num_cores=NC, num_subcores=NS
    )


def _tc_pre(h, W, a1, a2):
    n, d_in = h.shape
    d = W.shape[1]
    rb = 1000

    def body(h_ref, w_ref, a1_ref, a2_ref, wh_ref, s1_ref, s2_ref):
        wh = jnp.dot(h_ref[...], w_ref[...], preferred_element_type=jnp.float32)
        wh_ref[...] = wh
        s1_ref[...] = jnp.dot(wh, a1_ref[...], preferred_element_type=jnp.float32)
        s2_ref[...] = jnp.dot(wh, a2_ref[...], preferred_element_type=jnp.float32)

    return pl.pallas_call(
        body,
        grid=(n // rb,),
        in_specs=[
            pl.BlockSpec((rb, d_in), lambda i: (i, 0)),
            pl.BlockSpec((d_in, d), lambda i: (0, 0)),
            pl.BlockSpec((d, 1), lambda i: (0, 0)),
            pl.BlockSpec((d, 1), lambda i: (0, 0)),
        ],
        out_specs=[
            pl.BlockSpec((rb, d), lambda i: (i, 0)),
            pl.BlockSpec((rb, 1), lambda i: (i, 0)),
            pl.BlockSpec((rb, 1), lambda i: (i, 0)),
        ],
        out_shape=[
            jax.ShapeDtypeStruct((n, d), jnp.float32),
            jax.ShapeDtypeStruct((n, 1), jnp.float32),
            jax.ShapeDtypeStruct((n, 1), jnp.float32),
        ],
    )(h, W, a1, a2)


def _sc_edge(s1, s2, src, dst):
    e = src.shape[0]
    epw = e // NWK
    n = s1.shape[0]

    @functools.partial(
        pl.kernel,
        mesh=_mesh(),
        compiler_params=pltpu.CompilerParams(needs_layout_passes=False),
        out_type=jax.ShapeDtypeStruct((e,), jnp.float32),
        scratch_types=[
            pltpu.VMEM((n,), jnp.float32),
            pltpu.VMEM((n,), jnp.float32),
            pltpu.VMEM((epw,), jnp.int32),
            pltpu.VMEM((epw,), jnp.int32),
            pltpu.VMEM((epw,), jnp.float32),
        ],
    )
    def k(s1_hbm, s2_hbm, src_hbm, dst_hbm, lk_hbm,
          s1_v, s2_v, src_v, dst_v, lk_v):
        wid = lax.axis_index("s") * NC + lax.axis_index("c")
        base = wid * epw
        pltpu.sync_copy(s1_hbm, s1_v)
        pltpu.sync_copy(s2_hbm, s2_v)
        pltpu.sync_copy(src_hbm.at[pl.ds(base, epw)], src_v)
        pltpu.sync_copy(dst_hbm.at[pl.ds(base, epw)], dst_v)

        def step(i, carry):
            x1 = plsc.load_gather(s1_v, [src_v[pl.ds(i * L, L)]])
            x2 = plsc.load_gather(s2_v, [dst_v[pl.ds(i * L, L)]])
            ev = x1 + x2
            lk_v[pl.ds(i * L, L)] = jnp.where(ev > 0, -ev, -ALPHA * ev)
            return carry

        lax.fori_loop(0, epw // L, step, 0)
        pltpu.sync_copy(lk_v, lk_hbm.at[pl.ds(base, epw)])

    return k(s1, s2, src, dst)


def _tc_vals(lk2):

    def body(lk_ref, v_ref, s_ref):
        x = jnp.exp(lk_ref[...])
        gmax = jnp.max(x)
        v = jnp.exp(x - gmax)
        v_ref[...] = v
        s_ref[...] = jnp.broadcast_to(jnp.sum(v), (PR, EC))

    return pl.pallas_call(
        body,
        grid=(1,),
        in_specs=[pl.BlockSpec((ER, EC), lambda i: (0, 0))],
        out_specs=[pl.BlockSpec((ER, EC), lambda i: (0, 0)),
                   pl.BlockSpec((PR, EC), lambda i: (0, 0))],
        out_shape=[jax.ShapeDtypeStruct((ER, EC), jnp.float32),
                   jax.ShapeDtypeStruct((PR, EC), jnp.float32)],
    )(lk2)


def _sc_spmm(wh, src3, dst, vals):
    n, d = wh.shape
    nch = src3.shape[1]
    epw = nch * CK
    rpt = (n // NS) // 8 * 8
    tail = n - NS * rpt
    NB = 3

    @functools.partial(
        pl.kernel,
        mesh=_mesh(),
        compiler_params=pltpu.CompilerParams(needs_layout_passes=False),
        out_type=jax.ShapeDtypeStruct((NC, n, d), jnp.float32),
        scratch_types=(
            [pltpu.VMEM((epw,), jnp.int32)]
            + [pltpu.VMEM((CK, d), jnp.float32)] * NB
            + [pltpu.VMEM((CK,), jnp.int32)] * NB
            + [pltpu.VMEM((CK,), jnp.float32)] * NB
            + [pltpu.VMEM_SHARED((n, d), jnp.float32)]
            + [pltpu.SemaphoreType.DMA] * (2 * NB)
        ),
    )
    def k(wh_hbm, src_hbm, dst_hbm, vals_hbm, out_hbm,
          dst_v, r0, r1, r2, si0, si1, si2, vc0, vc1, vc2, acc,
          sg0, sg1, sg2, ss0, ss1, ss2):
        bufs = [(r0, si0, vc0, sg0, ss0), (r1, si1, vc1, sg1, ss1),
                (r2, si2, vc2, sg2, ss2)]
        cid = lax.axis_index("c")
        sid = lax.axis_index("s")
        wid = sid * NC + cid
        row0 = pl.multiple_of(sid * rpt, 8)

        def zrow(r, _):
            for q in range(d // L):
                r0[r, pl.ds(q * L, L)] = jnp.zeros((L,), jnp.float32)
            return 0

        lax.fori_loop(0, CK, zrow, 0)
        nfull = rpt // CK
        rem = rpt - nfull * CK
        for j in range(nfull):
            pltpu.sync_copy(r0, acc.at[pl.ds(row0 + j * CK, CK)])
        if rem:
            pltpu.sync_copy(r0.at[pl.ds(0, rem)],
                            acc.at[pl.ds(row0 + nfull * CK, rem)])

        @pl.when(sid == 0)
        def _zero_tail():
            pltpu.sync_copy(r0.at[pl.ds(0, tail)],
                            acc.at[pl.ds(NS * rpt, tail)])

        pltpu.sync_copy(dst_hbm.at[pl.ds(wid * epw, epw)], dst_v)

        plsc.subcore_barrier()

        def gather_start(c, b):
            buf, si, vc, sg, _ = bufs[b]
            pltpu.async_copy(src_hbm.at[wid, c], si, sg)
            pltpu.async_copy(vals_hbm.at[pl.ds(wid * epw + c * CK, CK)], vc, sg)
            pltpu.async_copy(wh_hbm.at[dst_v.at[pl.ds(c * CK, CK)]], buf, sg)

        def gather_wait(c, b):
            buf, si, vc, sg, _ = bufs[b]
            pltpu.make_async_copy(src_hbm.at[wid, c], si, sg).wait()
            pltpu.make_async_copy(vals_hbm.at[pl.ds(wid * epw + c * CK, CK)],
                                  vc, sg).wait()
            pltpu.make_async_copy(wh_hbm.at[dst_v.at[pl.ds(c * CK, CK)]],
                                  buf, sg).wait()

        def scat_start(b):
            buf, si, _, _, ss = bufs[b]
            pltpu.async_copy(buf, acc.at[si], ss, add=True)

        def scat_wait(b):
            buf, si, _, _, ss = bufs[b]
            pltpu.make_async_copy(buf, acc.at[si], ss).wait()

        def scale(b):
            buf, _, vc, _, _ = bufs[b]

            def gstep(g, _):
                vv = vc[pl.ds(g * L, L)]
                for i in range(L):
                    v = vv[i]
                    r = g * L + i
                    for q in range(d // L):
                        buf[r, pl.ds(q * L, L)] = buf[r, pl.ds(q * L, L)] * v
                return 0

            lax.fori_loop(0, CK // L, gstep, 0)

        for b in range(NB):
            gather_start(b, b)

        def group(p, _):
            for b in range(NB):
                c = p * NB + b

                @pl.when(c < nch)
                def _do(c=c, b=b):
                    gather_wait(c, b)
                    scat_start(b)

                @pl.when(c + NB < nch)
                def _nxt(c=c, b=b):
                    scat_wait(b)
                    gather_start(c + NB, b)

            return 0

        lax.fori_loop(0, (nch + NB - 1) // NB, group, 0)
        for b in range(NB):
            scat_wait(b)
        plsc.subcore_barrier()
        pltpu.sync_copy(acc.at[pl.ds(row0, rpt)],
                        out_hbm.at[cid, pl.ds(row0, rpt)])

        @pl.when(sid == 0)
        def _dump_tail():
            pltpu.sync_copy(acc.at[pl.ds(NS * rpt, tail)],
                            out_hbm.at[cid, pl.ds(NS * rpt, tail)])

    return k(wh, src3, dst, vals)


def _tc_post(p0, p1, srep):
    n, d = p0.shape
    rb = 1000

    def body(a_ref, b_ref, s_ref, o_ref):
        s_tot = jnp.max(s_ref[...])
        x = (a_ref[...] + b_ref[...]) / s_tot
        o_ref[...] = jnp.where(x > 0, x, jnp.exp(x) - 1.0)

    return pl.pallas_call(
        body,
        grid=(n // rb,),
        in_specs=[pl.BlockSpec((rb, d), lambda i: (i, 0)),
                  pl.BlockSpec((rb, d), lambda i: (i, 0)),
                  pl.BlockSpec(srep.shape, lambda i: (0, 0))],
        out_specs=pl.BlockSpec((rb, d), lambda i: (i, 0)),
        out_shape=jax.ShapeDtypeStruct((n, d), jnp.float32),
    )(p0, p1, srep)


def kernel(h, edge_index, W, a, nw):
    del nw
    n, _ = h.shape
    d = W.shape[1]
    e = edge_index.shape[1]
    a1 = a[0:d]
    a2 = a[d:2 * d]
    wh, s1, s2 = _tc_pre(h, W, a1, a2)
    s1 = s1.reshape(n)
    s2 = s2.reshape(n)
    src = edge_index[0]
    dst = edge_index[1]
    lk = _sc_edge(s1, s2, src, dst)
    lk2 = lk.reshape(ER, EC)
    vals2, srep = _tc_vals(lk2)
    vals = vals2.reshape(e)
    nch = e // NWK // CK
    src3 = src.reshape(NWK, nch, CK)
    acc2 = _sc_spmm(wh, src3, dst, vals)
    return _tc_post(acc2[0], acc2[1], srep)

# --- scband reference (transcript-rebuilt; emitter-appended) ---
"""Pipeline reference for scband-sparse-multi-attention-7121055777172 (READ-ONLY COPY).

The authoritative reference and input builder live on the scoring server;
editing this copy changes nothing except your own understanding.
"""

import jax, jax.numpy as jnp
import numpy as np

N = 10000
E = 320000
D_IN = 128
D_OUT = 128
ALPHA = 0.2  # leakyrelu negative slope

def _xavier_uniform(key, shape, gain=1.414):
    fan_in, fan_out = shape[0], shape[1]
    bound = gain * float(np.sqrt(6.0 / (fan_in + fan_out)))
    return jax.random.uniform(key, shape, minval=-bound, maxval=bound, dtype=jnp.float32)

def setup_inputs(seed: int = 0) -> dict:
    key = jax.random.key(seed)
    k1, k2, k3, k4, k5 = jax.random.split(key, 5)
    h = jax.random.normal(k1, (N, D_IN), dtype=jnp.float32)
    edge_index = jax.random.randint(k2, (2, E), 0, N, dtype=jnp.int32)
    W = _xavier_uniform(k3, (D_IN, D_OUT))
    a = _xavier_uniform(k4, (2 * 1 * D_OUT, 1))
    nw = _xavier_uniform(k5, (1, 1))
    return {"h": h, "edge_index": edge_index, "W": W, "a": a, "nw": nw}

def reference(h, edge_index, W, a, nw):
    # wts = softmax over networks (no_networks=1)
    wts = jax.nn.softmax(nw, axis=0)  # [1, 1]
    Wh = jnp.matmul(h, W)  # [N, D_OUT]
    n = Wh.shape[0]
    # compute_attention for network 0
    Wh1 = jnp.matmul(Wh, a[0:D_OUT, :]).squeeze(-1)          # [N]
    Wh2 = jnp.matmul(Wh, a[D_OUT:2 * D_OUT, :]).squeeze(-1)  # [N]
    src = edge_index[0, :]
    dst = edge_index[1, :]
    e = Wh1[src] + Wh2[dst]                                   # gather
    leaky = jnp.where(e > 0, e, ALPHA * e)
    edge_e = jnp.exp(-leaky)
    vals = wts[0] * edge_e                                    # [E]
    # coalesce() sorts edges; softmax over all edge values is permutation-invariant
    vals = jax.nn.softmax(vals)  # F.softmax over dim 0 (global over E values)
    # dropout p=0.0 -> identity
    # h_prime = sparse(attention) @ Wh : scatter-add over source rows
    h_prime = jax.ops.segment_sum(vals[:, None] * Wh[dst], src, num_segments=n)
    # concat=True -> ELU
    return jax.nn.elu(h_prime)

if __name__ == "__main__":
    import jax
    _d = setup_inputs()
    print(jax.jit(kernel)(*tuple(_d.values())))

</pallas_src>

<mosaic_0001>
#map = affine_map<(d0, d1) -> (0)>
module attributes {stable_mosaic.version = 14 : i64} {
  func.func @k(%arg0: i32, %arg1: i32, %arg2: memref<10000xf32, #tpu.memory_space<hbm>>, %arg3: memref<10000xf32, #tpu.memory_space<hbm>>, %arg4: memref<320000xi32, #tpu.memory_space<hbm>>, %arg5: memref<320000xi32, #tpu.memory_space<hbm>>, %arg6: memref<320000xf32, #tpu.memory_space<hbm>>, %arg7: memref<10000xf32, #tpu.memory_space<vmem>>, %arg8: memref<10000xf32, #tpu.memory_space<vmem>>, %arg9: memref<10000xi32, #tpu.memory_space<vmem>>, %arg10: memref<10000xi32, #tpu.memory_space<vmem>>, %arg11: memref<10000xf32, #tpu.memory_space<vmem>>) attributes {dimension_semantics = [#tpu.dimension_semantics<core_parallel>, #tpu.dimension_semantics<subcore_parallel>], iteration_bounds = array<i64: 2, 16>, scalar_prefetch = 0 : i64, scratch_operands = 5 : i64, tpu.core_type = #tpu.core_type<sc_vector_subcore>, window_params = [{transform_indices = #map}, {transform_indices = #map}, {transform_indices = #map}, {transform_indices = #map}, {transform_indices = #map}]} {
    %mul3A = arith.constant 2 : i32
    %mul3A_0 = arith.muli %arg1, %mul3A : i32
    %add3A = arith.addi %mul3A_0, %arg0 : i32
    %mul3A_1 = arith.constant 10000 : i32
    %mul3A_2 = arith.muli %add3A, %mul3A_1 : i32
    "tpu.region"() ({
      %run_scoped3A = tpu.sem_alloc : memref<!tpu.dma_semaphore, #tpu.memory_space<semaphore_mem>>
      tpu.enqueue_dma source(%arg2 : memref<10000xf32, #tpu.memory_space<hbm>>) target(%arg7 : memref<10000xf32, #tpu.memory_space<vmem>>) target_semaphore(%run_scoped3A : memref<!tpu.dma_semaphore, #tpu.memory_space<semaphore_mem>>)
      tpu.wait_dma2 semaphore(%run_scoped3A : memref<!tpu.dma_semaphore, #tpu.memory_space<semaphore_mem>>) src(%arg2 : memref<10000xf32, #tpu.memory_space<hbm>>) dst(%arg7 : memref<10000xf32, #tpu.memory_space<vmem>>)
      tpu.yield
    }) : () -> ()
    "tpu.region"() ({
      %run_scoped3A = tpu.sem_alloc : memref<!tpu.dma_semaphore, #tpu.memory_space<semaphore_mem>>
      tpu.enqueue_dma source(%arg3 : memref<10000xf32, #tpu.memory_space<hbm>>) target(%arg8 : memref<10000xf32, #tpu.memory_space<vmem>>) target_semaphore(%run_scoped3A : memref<!tpu.dma_semaphore, #tpu.memory_space<semaphore_mem>>)
      tpu.wait_dma2 semaphore(%run_scoped3A : memref<!tpu.dma_semaphore, #tpu.memory_space<semaphore_mem>>) src(%arg3 : memref<10000xf32, #tpu.memory_space<hbm>>) dst(%arg8 : memref<10000xf32, #tpu.memory_space<vmem>>)
      tpu.yield
    }) : () -> ()
    "tpu.region"() ({
      %run_scoped3A = tpu.sem_alloc : memref<!tpu.dma_semaphore, #tpu.memory_space<semaphore_mem>>
      %dma_start3A = tpu.memref_slice %arg4[%mul3A_2] : memref<320000xi32, #tpu.memory_space<hbm>> -> memref<10000xi32, #tpu.memory_space<hbm>>
      %dma_start3A_8 = tpu.memref_slice %arg4[%mul3A_2] : memref<320000xi32, #tpu.memory_space<hbm>> -> memref<10000xi32, #tpu.memory_space<hbm>>
      tpu.enqueue_dma source(%dma_start3A_8 : memref<10000xi32, #tpu.memory_space<hbm>>) target(%arg9 : memref<10000xi32, #tpu.memory_space<vmem>>) target_semaphore(%run_scoped3A : memref<!tpu.dma_semaphore, #tpu.memory_space<semaphore_mem>>)
      %dma_wait3A = tpu.memref_slice %arg4[%mul3A_2] : memref<320000xi32, #tpu.memory_space<hbm>> -> memref<10000xi32, #tpu.memory_space<hbm>>
      %dma_wait3A_9 = tpu.memref_slice %arg4[%mul3A_2] : memref<320000xi32, #tpu.memory_space<hbm>> -> memref<10000xi32, #tpu.memory_space<hbm>>
      tpu.wait_dma2 semaphore(%run_scoped3A : memref<!tpu.dma_semaphore, #tpu.memory_space<semaphore_mem>>) src(%dma_wait3A_9 : memref<10000xi32, #tpu.memory_space<hbm>>) dst(%arg9 : memref<10000xi32, #tpu.memory_space<vmem>>)
      tpu.yield
    }) : () -> ()
    "tpu.region"() ({
      %run_scoped3A = tpu.sem_alloc : memref<!tpu.dma_semaphore, #tpu.memory_space<semaphore_mem>>
      %dma_start3A = tpu.memref_slice %arg5[%mul3A_2] : memref<320000xi32, #tpu.memory_space<hbm>> -> memref<10000xi32, #tpu.memory_space<hbm>>
      %dma_start3A_8 = tpu.memref_slice %arg5[%mul3A_2] : memref<320000xi32, #tpu.memory_space<hbm>> -> memref<10000xi32, #tpu.memory_space<hbm>>
      tpu.enqueue_dma source(%dma_start3A_8 : memref<10000xi32, #tpu.memory_space<hbm>>) target(%arg10 : memref<10000xi32, #tpu.memory_space<vmem>>) target_semaphore(%run_scoped3A : memref<!tpu.dma_semaphore, #tpu.memory_space<semaphore_mem>>)
      %dma_wait3A = tpu.memref_slice %arg5[%mul3A_2] : memref<320000xi32, #tpu.memory_space<hbm>> -> memref<10000xi32, #tpu.memory_space<hbm>>
      %dma_wait3A_9 = tpu.memref_slice %arg5[%mul3A_2] : memref<320000xi32, #tpu.memory_space<hbm>> -> memref<10000xi32, #tpu.memory_space<hbm>>
      tpu.wait_dma2 semaphore(%run_scoped3A : memref<!tpu.dma_semaphore, #tpu.memory_space<semaphore_mem>>) src(%dma_wait3A_9 : memref<10000xi32, #tpu.memory_space<hbm>>) dst(%arg10 : memref<10000xi32, #tpu.memory_space<vmem>>)
      tpu.yield
    }) : () -> ()
    %scan3A = arith.constant 0 : i32
    %scan3A_3 = arith.constant 0 : i32
    %scan3A_4 = arith.constant 625 : i32
    %scan3A_5 = arith.addi %scan3A_3, %scan3A_4 : i32
    %scan3A_6 = arith.constant 1 : i32
    scf.for %scan3A_8 = %scan3A_3 to %scan3A_5 step %scan3A_6  : i32 {
      %mul3A_9 = arith.constant 16 : i32
      %mul3A_10 = arith.muli %scan3A_8, %mul3A_9 : i32
      %get3A = arith.index_cast %mul3A_10 : i32 to index
      %get3A_11 = tpu.vector_load %arg9[%get3A] {strides = array<i32>} : memref<10000xi32, #tpu.memory_space<vmem>>, vector<16xi32>,
      %gather3A = tpu.vector_load_idx %arg7[%get3A_11] : memref<10000xf32, #tpu.memory_space<vmem>>[vector<16xi32>], vector<16xf32>,
      %mul3A_12 = arith.constant 16 : i32
      %mul3A_13 = arith.muli %scan3A_8, %mul3A_12 : i32
      %get3A_14 = arith.index_cast %mul3A_13 : i32 to index
      %get3A_15 = tpu.vector_load %arg10[%get3A_14] {strides = array<i32>} : memref<10000xi32, #tpu.memory_space<vmem>>, vector<16xi32>,
      %gather3A_16 = tpu.vector_load_idx %arg8[%get3A_15] : memref<10000xf32, #tpu.memory_space<vmem>>[vector<16xi32>], vector<16xf32>,
      %add3A_17 = arith.addf %gather3A, %gather3A_16 : vector<16xf32>
      %gt3A = arith.constant 0.000000e+00 : f32
      %gt3A_18 = vector.broadcast %gt3A : f32 to vector<16xf32>
      %gt3A_19 = arith.cmpf ogt, %add3A_17, %gt3A_18 : vector<16xf32>
      %neg3A = arith.constant 0.000000e+00 : f32
      %neg3A_20 = vector.broadcast %neg3A : f32 to vector<16xf32>
      %neg3A_21 = arith.subf %neg3A_20, %add3A_17 : vector<16xf32>
      %mul3A_22 = arith.constant -2.000000e-01 : f32
      %mul3A_23 = vector.broadcast %mul3A_22 : f32 to vector<16xf32>
      %mul3A_24 = arith.mulf %mul3A_23, %add3A_17 : vector<16xf32>
      %select_n3A = arith.select %gt3A_19, %neg3A_21, %mul3A_24 : vector<16xi1>, vector<16xf32>
      %mul3A_25 = arith.constant 16 : i32
      %mul3A_26 = arith.muli %scan3A_8, %mul3A_25 : i32
      %swap3A = arith.index_cast %mul3A_26 : i32 to index
      %swap3A_27 = tpu.vector_load %arg11[%swap3A] {strides = array<i32>} : memref<10000xf32, #tpu.memory_space<vmem>>, vector<16xf32>,
      tpu.vector_store %arg11[%swap3A], %select_n3A {strides = array<i32>} : memref<10000xf32, #tpu.memory_space<vmem>>, vector<16xf32>,
    }
    %scan3A_7 = arith.constant 625 : i32
    "tpu.region"() ({
      %run_scoped3A = tpu.sem_alloc : memref<!tpu.dma_semaphore, #tpu.memory_space<semaphore_mem>>
      %dma_start3A = tpu.memref_slice %arg6[%mul3A_2] : memref<320000xf32, #tpu.memory_space<hbm>> -> memref<10000xf32, #tpu.memory_space<hbm>>
      %dma_start3A_8 = tpu.memref_slice %arg6[%mul3A_2] : memref<320000xf32, #tpu.memory_space<hbm>> -> memref<10000xf32, #tpu.memory_space<hbm>>
      tpu.enqueue_dma source(%arg11 : memref<10000xf32, #tpu.memory_space<vmem>>) target(%dma_start3A_8 : memref<10000xf32, #tpu.memory_space<hbm>>) target_semaphore(%run_scoped3A : memref<!tpu.dma_semaphore, #tpu.memory_space<semaphore_mem>>)
      %dma_wait3A = tpu.memref_slice %arg6[%mul3A_2] : memref<320000xf32, #tpu.memory_space<hbm>> -> memref<10000xf32, #tpu.memory_space<hbm>>
      %dma_wait3A_9 = tpu.memref_slice %arg6[%mul3A_2] : memref<320000xf32, #tpu.memory_space<hbm>> -> memref<10000xf32, #tpu.memory_space<hbm>>
      tpu.wait_dma2 semaphore(%run_scoped3A : memref<!tpu.dma_semaphore, #tpu.memory_space<semaphore_mem>>) src(%arg11 : memref<10000xf32, #tpu.memory_space<vmem>>) dst(%dma_wait3A_9 : memref<10000xf32, #tpu.memory_space<hbm>>)
      tpu.yield
    }) : () -> ()
    return
  }
}

#map = affine_map<(d0, d1) -> (0, 0)>
#map1 = affine_map<(d0, d1) -> (0, 0, 0)>
#map2 = affine_map<(d0, d1) -> (0)>
module attributes {stable_mosaic.version = 14 : i64} {
  func.func @k(%arg0: i32, %arg1: i32, %arg2: memref<10000x128xf32, #tpu.memory_space<hbm>>, %arg3: memref<32x125x80xi32, #tpu.memory_space<hbm>>, %arg4: memref<320000xi32, #tpu.memory_space<hbm>>, %arg5: memref<320000xf32, #tpu.memory_space<hbm>>, %arg6: memref<2x10000x128xf32, #tpu.memory_space<hbm>>, %arg7: memref<10000xi32, #tpu.memory_space<vmem>>, %arg8: memref<80x128xf32, #tpu.memory_space<vmem>>, %arg9: memref<80x128xf32, #tpu.memory_space<vmem>>, %arg10: memref<80x128xf32, #tpu.memory_space<vmem>>, %arg11: memref<80xi32, #tpu.memory_space<vmem>>, %arg12: memref<80xi32, #tpu.memory_space<vmem>>, %arg13: memref<80xi32, #tpu.memory_space<vmem>>, %arg14: memref<80xf32, #tpu.memory_space<vmem>>, %arg15: memref<80xf32, #tpu.memory_space<vmem>>, %arg16: memref<80xf32, #tpu.memory_space<vmem>>, %arg17: memref<10000x128xf32, #tpu.memory_space<vmem_shared>>, %arg18: memref<!tpu.dma_semaphore, #tpu.memory_space<semaphore_mem>>, %arg19: memref<!tpu.dma_semaphore, #tpu.memory_space<semaphore_mem>>, %arg20: memref<!tpu.dma_semaphore, #tpu.memory_space<semaphore_mem>>, %arg21: memref<!tpu.dma_semaphore, #tpu.memory_space<semaphore_mem>>, %arg22: memref<!tpu.dma_semaphore, #tpu.memory_space<semaphore_mem>>, %arg23: memref<!tpu.dma_semaphore, #tpu.memory_space<semaphore_mem>>) attributes {dimension_semantics = [#tpu.dimension_semantics<core_parallel>, #tpu.dimension_semantics<subcore_parallel>], iteration_bounds = array<i64: 2, 16>, scalar_prefetch = 0 : i64, scratch_operands = 17 : i64, tpu.core_type = #tpu.core_type<sc_vector_subcore>, window_params = [{transform_indices = #map}, {transform_indices = #map1}, {transform_indices = #map2}, {transform_indices = #map2}, {transform_indices = #map1}]} {
    %mul3A = arith.constant 2 : i32
    %mul3A_0 = arith.muli %arg1, %mul3A : i32
    %add3A = arith.addi %mul3A_0, %arg0 : i32
    %mul3A_1 = arith.constant 624 : i32
    %mul3A_2 = arith.muli %arg1, %mul3A_1 : i32
    %multiple_of3A = tpu.assume_multiple %mul3A_2, 8 : i32
    %scan3A = arith.constant 0 : i32
    %scan3A_3 = arith.constant 0 : i32
    %scan3A_4 = arith.constant 80 : i32
    %scan3A_5 = arith.addi %scan3A_3, %scan3A_4 : i32
    %scan3A_6 = arith.constant 1 : i32
    %scan3A_7 = scf.for %scan3A_103 = %scan3A_3 to %scan3A_5 step %scan3A_6 iter_args(%scan3A_104 = %scan3A) -> (i32)  : i32 {
      %broadcast_in_dim3A = arith.constant 0.000000e+00 : f32
      %broadcast_in_dim3A_105 = vector.broadcast %broadcast_in_dim3A : f32 to vector<16xf32>
      %swap3A = arith.index_cast %scan3A_103 : i32 to index
      %swap3A_106 = arith.constant 0 : index
      %swap3A_107 = tpu.vector_load %arg8[%swap3A, %swap3A_106] {strides = array<i32>} : memref<80x128xf32, #tpu.memory_space<vmem>>, vector<16xf32>,
      tpu.vector_store %arg8[%swap3A, %swap3A_106], %broadcast_in_dim3A_105 {strides = array<i32>} : memref<80x128xf32, #tpu.memory_space<vmem>>, vector<16xf32>,
      %broadcast_in_dim3A_108 = arith.constant 0.000000e+00 : f32
      %broadcast_in_dim3A_109 = vector.broadcast %broadcast_in_dim3A_108 : f32 to vector<16xf32>
      %swap3A_110 = arith.index_cast %scan3A_103 : i32 to index
      %swap3A_111 = arith.constant 16 : index
      %swap3A_112 = tpu.vector_load %arg8[%swap3A_110, %swap3A_111] {strides = array<i32>} : memref<80x128xf32, #tpu.memory_space<vmem>>, vector<16xf32>,
      tpu.vector_store %arg8[%swap3A_110, %swap3A_111], %broadcast_in_dim3A_109 {strides = array<i32>} : memref<80x128xf32, #tpu.memory_space<vmem>>, vector<16xf32>,
      %broadcast_in_dim3A_113 = arith.constant 0.000000e+00 : f32
      %broadcast_in_dim3A_114 = vector.broadcast %broadcast_in_dim3A_113 : f32 to vector<16xf32>
      %swap3A_115 = arith.index_cast %scan3A_103 : i32 to index
      %swap3A_116 = arith.constant 32 : index
      %swap3A_117 = tpu.vector_load %arg8[%swap3A_115, %swap3A_116] {strides = array<i32>} : memref<80x128xf32, #tpu.memory_space<vmem>>, vector<16xf32>,
      tpu.vector_store %arg8[%swap3A_115, %swap3A_116], %broadcast_in_dim3A_114 {strides = array<i32>} : memref<80x128xf32, #tpu.memory_space<vmem>>, vector<16xf32>,
      %broadcast_in_dim3A_118 = arith.constant 0.000000e+00 : f32
      %broadcast_in_dim3A_119 = vector.broadcast %broadcast_in_dim3A_118 : f32 to vector<16xf32>
      %swap3A_120 = arith.index_cast %scan3A_103 : i32 to index
      %swap3A_121 = arith.constant 48 : index
      %swap3A_122 = tpu.vector_load %arg8[%swap3A_120, %swap3A_121] {strides = array<i32>} : memref<80x128xf32, #tpu.memory_space<vmem>>, vector<16xf32>,
      tpu.vector_store %arg8[%swap3A_120, %swap3A_121], %broadcast_in_dim3A_119 {strides = array<i32>} : memref<80x128xf32, #tpu.memory_space<vmem>>, vector<16xf32>,
      %broadcast_in_dim3A_123 = arith.constant 0.000000e+00 : f32
      %broadcast_in_dim3A_124 = vector.broadcast %broadcast_in_dim3A_123 : f32 to vector<16xf32>
      %swap3A_125 = arith.index_cast %scan3A_103 : i32 to index
      %swap3A_126 = arith.constant 64 : index
      %swap3A_127 = tpu.vector_load %arg8[%swap3A_125, %swap3A_126] {strides = array<i32>} : memref<80x128xf32, #tpu.memory_space<vmem>>, vector<16xf32>,
      tpu.vector_store %arg8[%swap3A_125, %swap3A_126], %broadcast_in_dim3A_124 {strides = array<i32>} : memref<80x128xf32, #tpu.memory_space<vmem>>, vector<16xf32>,
      %broadcast_in_dim3A_128 = arith.constant 0.000000e+00 : f32
      %broadcast_in_dim3A_129 = vector.broadcast %broadcast_in_dim3A_128 : f32 to vector<16xf32>
      %swap3A_130 = arith.index_cast %scan3A_103 : i32 to index
      %swap3A_131 = arith.constant 80 : index
      %swap3A_132 = tpu.vector_load %arg8[%swap3A_130, %swap3A_131] {strides = array<i32>} : memref<80x128xf32, #tpu.memory_space<vmem>>, vector<16xf32>,
      tpu.vector_store %arg8[%swap3A_130, %swap3A_131], %broadcast_in_dim3A_129 {strides = array<i32>} : memref<80x128xf32, #tpu.memory_space<vmem>>, vector<16xf32>,
      %broadcast_in_dim3A_133 = arith.constant 0.000000e+00 : f32
      %broadcast_in_dim3A_134 = vector.broadcast %broadcast_in_dim3A_133 : f32 to vector<16xf32>
      %swap3A_135 = arith.index_cast %scan3A_103 : i32 to index
      %swap3A_136 = arith.constant 96 : index
      %swap3A_137 = tpu.vector_load %arg8[%swap3A_135, %swap3A_136] {strides = array<i32>} : memref<80x128xf32, #tpu.memory_space<vmem>>, vector<16xf32>,
      tpu.vector_store %arg8[%swap3A_135, %swap3A_136], %broadcast_in_dim3A_134 {strides = array<i32>} : memref<80x128xf32, #tpu.memory_space<vmem>>, vector<16xf32>,
      %broadcast_in_dim3A_138 = arith.constant 0.000000e+00 : f32
      %broadcast_in_dim3A_139 = vector.broadcast %broadcast_in_dim3A_138 : f32 to vector<16xf32>
      %swap3A_140 = arith.index_cast %scan3A_103 : i32 to index
      %swap3A_141 = arith.constant 112 : index
      %swap3A_142 = tpu.vector_load %arg8[%swap3A_140, %swap3A_141] {strides = array<i32>} : memref<80x128xf32, #tpu.memory_space<vmem>>, vector<16xf32>,
      tpu.vector_store %arg8[%swap3A_140, %swap3A_141], %broadcast_in_dim3A_139 {strides = array<i32>} : memref<80x128xf32, #tpu.memory_space<vmem>>, vector<16xf32>,
      %scan3A_143 = arith.constant 0 : i32
      scf.yield %scan3A_143 : i32
    }
    %scan3A_8 = arith.constant 80 : i32
    %add3A_9 = arith.constant 0 : i32
    %add3A_10 = arith.addi %multiple_of3A, %add3A_9 : i32
    "tpu.region"() ({
      %run_scoped3A = tpu.sem_alloc : memref<!tpu.dma_semaphore, #tpu.memory_space<semaphore_mem>>
      %dma_start3A_103 = arith.constant 0 : i32
      %dma_start3A_104 = tpu.memref_slice %arg17[%add3A_10, %dma_start3A_103] : memref<10000x128xf32, #tpu.memory_space<vmem_shared>> -> memref<80x128xf32, #tpu.memory_space<vmem_shared>>
      %dma_start3A_105 = arith.constant 0 : i32
      %dma_start3A_106 = tpu.memref_slice %arg17[%add3A_10, %dma_start3A_105] : memref<10000x128xf32, #tpu.memory_space<vmem_shared>> -> memref<80x128xf32, #tpu.memory_space<vmem_shared>>
      tpu.enqueue_dma source(%arg8 : memref<80x128xf32, #tpu.memory_space<vmem>>) target(%dma_start3A_106 : memref<80x128xf32, #tpu.memory_space<vmem_shared>>) target_semaphore(%run_scoped3A : memref<!tpu.dma_semaphore, #tpu.memory_space<semaphore_mem>>)
      %dma_wait3A_107 = arith.constant 0 : i32
      %dma_wait3A_108 = tpu.memref_slice %arg17[%add3A_10, %dma_wait3A_107] : memref<10000x128xf32, #tpu.memory_space<vmem_shared>> -> memref<80x128xf32, #tpu.memory_space<vmem_shared>>
      %dma_wait3A_109 = arith.constant 0 : i32
      %dma_wait3A_110 = tpu.memref_slice %arg17[%add3A_10, %dma_wait3A_109] : memref<10000x128xf32, #tpu.memory_space<vmem_shared>> -> memref<80x128xf32, #tpu.memory_space<vmem_shared>>
      tpu.wait_dma2 semaphore(%run_scoped3A : memref<!tpu.dma_semaphore, #tpu.memory_space<semaphore_mem>>) src(%arg8 : memref<80x128xf32, #tpu.memory_space<vmem>>) dst(%dma_wait3A_110 : memref<80x128xf32, #tpu.memory_space<vmem_shared>>)
      tpu.yield
    }) : () -> ()
    %add3A_11 = arith.constant 80 : i32
    %add3A_12 = arith.addi %multiple_of3A, %add3A_11 : i32
    "tpu.region"() ({
      %run_scoped3A = tpu.sem_alloc : memref<!tpu.dma_semaphore, #tpu.memory_space<semaphore_mem>>
      %dma_start3A_103 = arith.constant 0 : i32
      %dma_start3A_104 = tpu.memref_slice %arg17[%add3A_12, %dma_start3A_103] : memref<10000x128xf32, #tpu.memory_space<vmem_shared>> -> memref<80x128xf32, #tpu.memory_space<vmem_shared>>
      %dma_start3A_105 = arith.constant 0 : i32
      %dma_start3A_106 = tpu.memref_slice %arg17[%add3A_12, %dma_start3A_105] : memref<10000x128xf32, #tpu.memory_space<vmem_shared>> -> memref<80x128xf32, #tpu.memory_space<vmem_shared>>
      tpu.enqueue_dma source(%arg8 : memref<80x128xf32, #tpu.memory_space<vmem>>) target(%dma_start3A_106 : memref<80x128xf32, #tpu.memory_space<vmem_shared>>) target_semaphore(%run_scoped3A : memref<!tpu.dma_semaphore, #tpu.memory_space<semaphore_mem>>)
      %dma_wait3A_107 = arith.constant 0 : i32
      %dma_wait3A_108 = tpu.memref_slice %arg17[%add3A_12, %dma_wait3A_107] : memref<10000x128xf32, #tpu.memory_space<vmem_shared>> -> memref<80x128xf32, #tpu.memory_space<vmem_shared>>
      %dma_wait3A_109 = arith.constant 0 : i32
      %dma_wait3A_110 = tpu.memref_slice %arg17[%add3A_12, %dma_wait3A_109] : memref<10000x128xf32, #tpu.memory_space<vmem_shared>> -> memref<80x128xf32, #tpu.memory_space<vmem_shared>>
      tpu.wait_dma2 semaphore(%run_scoped3A : memref<!tpu.dma_semaphore, #tpu.memory_space<semaphore_mem>>) src(%arg8 : memref<80x128xf32, #tpu.memory_space<vmem>>) dst(%dma_wait3A_110 : memref<80x128xf32, #tpu.memory_space<vmem_shared>>)
      tpu.yield
    }) : () -> ()
    %add3A_13 = arith.constant 160 : i32
    %add3A_14 = arith.addi %multiple_of3A, %add3A_13 : i32
    "tpu.region"() ({
      %run_scoped3A = tpu.sem_alloc : memref<!tpu.dma_semaphore, #tpu.memory_space<semaphore_mem>>
      %dma_start3A_103 = arith.constant 0 : i32
      %dma_start3A_104 = tpu.memref_slice %arg17[%add3A_14, %dma_start3A_103] : memref<10000x128xf32, #tpu.memory_space<vmem_shared>> -> memref<80x128xf32, #tpu.memory_space<vmem_shared>>
      %dma_start3A_105 = arith.constant 0 : i32
      %dma_start3A_106 = tpu.memref_slice %arg17[%add3A_14, %dma_start3A_105] : memref<10000x128xf32, #tpu.memory_space<vmem_shared>> -> memref<80x128xf32, #tpu.memory_space<vmem_shared>>
      tpu.enqueue_dma source(%arg8 : memref<80x128xf32, #tpu.memory_space<vmem>>) target(%dma_start3A_106 : memref<80x128xf32, #tpu.memory_space<vmem_shared>>) target_semaphore(%run_scoped3A : memref<!tpu.dma_semaphore, #tpu.memory_space<semaphore_mem>>)
      %dma_wait3A_107 = arith.constant 0 : i32
      %dma_wait3A_108 = tpu.memref_slice %arg17[%add3A_14, %dma_wait3A_107] : memref<10000x128xf32, #tpu.memory_space<vmem_shared>> -> memref<80x128xf32, #tpu.memory_space<vmem_shared>>
      %dma_wait3A_109 = arith.constant 0 : i32
      %dma_wait3A_110 = tpu.memref_slice %arg17[%add3A_14, %dma_wait3A_109] : memref<10000x128xf32, #tpu.memory_space<vmem_shared>> -> memref<80x128xf32, #tpu.memory_space<vmem_shared>>
      tpu.wait_dma2 semaphore(%run_scoped3A : memref<!tpu.dma_semaphore, #tpu.memory_space<semaphore_mem>>) src(%arg8 : memref<80x128xf32, #tpu.memory_space<vmem>>) dst(%dma_wait3A_110 : memref<80x128xf32, #tpu.memory_space<vmem_shared>>)
      tpu.yield
    }) : () -> ()
    %add3A_15 = arith.constant 240 : i32
    %add3A_16 = arith.addi %multiple_of3A, %add3A_15 : i32
    "tpu.region"() ({
      %run_scoped3A = tpu.sem_alloc : memref<!tpu.dma_semaphore, #tpu.memory_space<semaphore_mem>>
      %dma_start3A_103 = arith.constant 0 : i32
      %dma_start3A_104 = tpu.memref_slice %arg17[%add3A_16, %dma_start3A_103] : memref<10000x128xf32, #tpu.memory_space<vmem_shared>> -> memref<80x128xf32, #tpu.memory_space<vmem_shared>>
      %dma_start3A_105 = arith.constant 0 : i32
      %dma_start3A_106 = tpu.memref_slice %arg17[%add3A_16, %dma_start3A_105] : memref<10000x128xf32, #tpu.memory_space<vmem_shared>> -> memref<80x128xf32, #tpu.memory_space<vmem_shared>>
      tpu.enqueue_dma source(%arg8 : memref<80x128xf32, #tpu.memory_space<vmem>>) target(%dma_start3A_106 : memref<80x128xf32, #tpu.memory_space<vmem_shared>>) target_semaphore(%run_scoped3A : memref<!tpu.dma_semaphore, #tpu.memory_space<semaphore_mem>>)
      %dma_wait3A_107 = arith.constant 0 : i32
      %dma_wait3A_108 = tpu.memref_slice %arg17[%add3A_16, %dma_wait3A_107] : memref<10000x128xf32, #tpu.memory_space<vmem_shared>> -> memref<80x128xf32, #tpu.memory_space<vmem_shared>>
      %dma_wait3A_109 = arith.constant 0 : i32
      %dma_wait3A_110 = tpu.memref_slice %arg17[%add3A_16, %dma_wait3A_109] : memref<10000x128xf32, #tpu.memory_space<vmem_shared>> -> memref<80x128xf32, #tpu.memory_space<vmem_shared>>
      tpu.wait_dma2 semaphore(%run_scoped3A : memref<!tpu.dma_semaphore, #tpu.memory_space<semaphore_mem>>) src(%arg8 : memref<80x128xf32, #tpu.memory_space<vmem>>) dst(%dma_wait3A_110 : memref<80x128xf32, #tpu.memory_space<vmem_shared>>)
      tpu.yield
    }) : () -> ()
    %add3A_17 = arith.constant 320 : i32
    %add3A_18 = arith.addi %multiple_of3A, %add3A_17 : i32
    "tpu.region"() ({
      %run_scoped3A = tpu.sem_alloc : memref<!tpu.dma_semaphore, #tpu.memory_space<semaphore_mem>>
      %dma_start3A_103 = arith.constant 0 : i32
      %dma_start3A_104 = tpu.memref_slice %arg17[%add3A_18, %dma_start3A_103] : memref<10000x128xf32, #tpu.memory_space<vmem_shared>> -> memref<80x128xf32, #tpu.memory_space<vmem_shared>>
      %dma_start3A_105 = arith.constant 0 : i32
      %dma_start3A_106 = tpu.memref_slice %arg17[%add3A_18, %dma_start3A_105] : memref<10000x128xf32, #tpu.memory_space<vmem_shared>> -> memref<80x128xf32, #tpu.memory_space<vmem_shared>>
      tpu.enqueue_dma source(%arg8 : memref<80x128xf32, #tpu.memory_space<vmem>>) target(%dma_start3A_106 : memref<80x128xf32, #tpu.memory_space<vmem_shared>>) target_semaphore(%run_scoped3A : memref<!tpu.dma_semaphore, #tpu.memory_space<semaphore_mem>>)
      %dma_wait3A_107 = arith.constant 0 : i32
      %dma_wait3A_108 = tpu.memref_slice %arg17[%add3A_18, %dma_wait3A_107] : memref<10000x128xf32, #tpu.memory_space<vmem_shared>> -> memref<80x128xf32, #tpu.memory_space<vmem_shared>>
      %dma_wait3A_109 = arith.constant 0 : i32
      %dma_wait3A_110 = tpu.memref_slice %arg17[%add3A_18, %dma_wait3A_109] : memref<10000x128xf32, #tpu.memory_space<vmem_shared>> -> memref<80x128xf32, #tpu.memory_space<vmem_shared>>
      tpu.wait_dma2 semaphore(%run_scoped3A : memref<!tpu.dma_semaphore, #tpu.memory_space<semaphore_mem>>) src(%arg8 : memref<80x128xf32, #tpu.memory_space<vmem>>) dst(%dma_wait3A_110 : memref<80x128xf32, #tpu.memory_space<vmem_shared>>)
      tpu.yield
    }) : () -> ()
    %add3A_19 = arith.constant 400 : i32
    %add3A_20 = arith.addi %multiple_of3A, %add3A_19 : i32
    "tpu.region"() ({
      %run_scoped3A = tpu.sem_alloc : memref<!tpu.dma_semaphore, #tpu.memory_space<semaphore_mem>>
      %dma_start3A_103 = arith.constant 0 : i32
      %dma_start3A_104 = tpu.memref_slice %arg17[%add3A_20, %dma_start3A_103] : memref<10000x128xf32, #tpu.memory_space<vmem_shared>> -> memref<80x128xf32, #tpu.memory_space<vmem_shared>>
      %dma_start3A_105 = arith.constant 0 : i32
      %dma_start3A_106 = tpu.memref_slice %arg17[%add3A_20, %dma_start3A_105] : memref<10000x128xf32, #tpu.memory_space<vmem_shared>> -> memref<80x128xf32, #tpu.memory_space<vmem_shared>>
      tpu.enqueue_dma source(%arg8 : memref<80x128xf32, #tpu.memory_space<vmem>>) target(%dma_start3A_106 : memref<80x128xf32, #tpu.memory_space<vmem_shared>>) target_semaphore(%run_scoped3A : memref<!tpu.dma_semaphore, #tpu.memory_space<semaphore_mem>>)
      %dma_wait3A_107 = arith.constant 0 : i32
      %dma_wait3A_108 = tpu.memref_slice %arg17[%add3A_20, %dma_wait3A_107] : memref<10000x128xf32, #tpu.memory_space<vmem_shared>> -> memref<80x128xf32, #tpu.memory_space<vmem_shared>>
      %dma_wait3A_109 = arith.constant 0 : i32
      %dma_wait3A_110 = tpu.memref_slice %arg17[%add3A_20, %dma_wait3A_109] : memref<10000x128xf32, #tpu.memory_space<vmem_shared>> -> memref<80x128xf32, #tpu.memory_space<vmem_shared>>
      tpu.wait_dma2 semaphore(%run_scoped3A : memref<!tpu.dma_semaphore, #tpu.memory_space<semaphore_mem>>) src(%arg8 : memref<80x128xf32, #tpu.memory_space<vmem>>) dst(%dma_wait3A_110 : memref<80x128xf32, #tpu.memory_space<vmem_shared>>)
      tpu.yield
    }) : () -> ()
    %add3A_21 = arith.constant 480 : i32
    %add3A_22 = arith.addi %multiple_of3A, %add3A_21 : i32
    "tpu.region"() ({
      %run_scoped3A = tpu.sem_alloc : memref<!tpu.dma_semaphore, #tpu.memory_space<semaphore_mem>>
      %dma_start3A_103 = arith.constant 0 : i32
      %dma_start3A_104 = tpu.memref_slice %arg17[%add3A_22, %dma_start3A_103] : memref<10000x128xf32, #tpu.memory_space<vmem_shared>> -> memref<80x128xf32, #tpu.memory_space<vmem_shared>>
      %dma_start3A_105 = arith.constant 0 : i32
      %dma_start3A_106 = tpu.memref_slice %arg17[%add3A_22, %dma_start3A_105] : memref<10000x128xf32, #tpu.memory_space<vmem_shared>> -> memref<80x128xf32, #tpu.memory_space<vmem_shared>>
      tpu.enqueue_dma source(%arg8 : memref<80x128xf32, #tpu.memory_space<vmem>>) target(%dma_start3A_106 : memref<80x128xf32, #tpu.memory_space<vmem_shared>>) target_semaphore(%run_scoped3A : memref<!tpu.dma_semaphore, #tpu.memory_space<semaphore_mem>>)
      %dma_wait3A_107 = arith.constant 0 : i32
      %dma_wait3A_108 = tpu.memref_slice %arg17[%add3A_22, %dma_wait3A_107] : memref<10000x128xf32, #tpu.memory_space<vmem_shared>> -> memref<80x128xf32, #tpu.memory_space<vmem_shared>>
      %dma_wait3A_109 = arith.constant 0 : i32
      %dma_wait3A_110 = tpu.memref_slice %arg17[%add3A_22, %dma_wait3A_109] : memref<10000x128xf32, #tpu.memory_space<vmem_shared>> -> memref<80x128xf32, #tpu.memory_space<vmem_shared>>
      tpu.wait_dma2 semaphore(%run_scoped3A : memref<!tpu.dma_semaphore, #tpu.memory_space<semaphore_mem>>) src(%arg8 : memref<80x128xf32, #tpu.memory_space<vmem>>) dst(%dma_wait3A_110 : memref<80x128xf32, #tpu.memory_space<vmem_shared>>)
      tpu.yield
    }) : () -> ()
    %add3A_23 = arith.constant 560 : i32
    %add3A_24 = arith.addi %multiple_of3A, %add3A_23 : i32
    "tpu.region"() ({
      %run_scoped3A = tpu.sem_alloc : memref<!tpu.dma_semaphore, #tpu.memory_space<semaphore_mem>>
      %dma_start3A_103 = arith.constant 0 : i32
      %dma_start3A_104 = arith.constant 0 : i32
      %dma_start3A_105 = tpu.memref_slice %arg8[%dma_start3A_103, %dma_start3A_104] : memref<80x128xf32, #tpu.memory_space<vmem>> -> memref<64x128xf32, #tpu.memory_space<vmem>>
      %dma_start3A_106 = arith.constant 0 : i32
      %dma_start3A_107 = tpu.memref_slice %arg17[%add3A_24, %dma_start3A_106] : memref<10000x128xf32, #tpu.memory_space<vmem_shared>> -> memref<64x128xf32, #tpu.memory_space<vmem_shared>>
      %dma_start3A_108 = arith.constant 0 : i32
      %dma_start3A_109 = tpu.memref_slice %arg17[%add3A_24, %dma_start3A_108] : memref<10000x128xf32, #tpu.memory_space<vmem_shared>> -> memref<64x128xf32, #tpu.memory_space<vmem_shared>>
      %dma_start3A_110 = arith.constant 0 : i32
      %dma_start3A_111 = arith.constant 0 : i32
      %dma_start3A_112 = tpu.memref_slice %arg8[%dma_start3A_110, %dma_start3A_111] : memref<80x128xf32, #tpu.memory_space<vmem>> -> memref<64x128xf32, #tpu.memory_space<vmem>>
      tpu.enqueue_dma source(%dma_start3A_112 : memref<64x128xf32, #tpu.memory_space<vmem>>) target(%dma_start3A_109 : memref<64x128xf32, #tpu.memory_space<vmem_shared>>) target_semaphore(%run_scoped3A : memref<!tpu.dma_semaphore, #tpu.memory_space<semaphore_mem>>)
      %dma_wait3A_113 = arith.constant 0 : i32
      %dma_wait3A_114 = arith.constant 0 : i32
      %dma_wait3A_115 = tpu.memref_slice %arg8[%dma_wait3A_113, %dma_wait3A_114] : memref<80x128xf32, #tpu.memory_space<vmem>> -> memref<64x128xf32, #tpu.memory_space<vmem>>
      %dma_wait3A_116 = arith.constant 0 : i32
      %dma_wait3A_117 = tpu.memref_slice %arg17[%add3A_24, %dma_wait3A_116] : memref<10000x128xf32, #tpu.memory_space<vmem_shared>> -> memref<64x128xf32, #tpu.memory_space<vmem_shared>>
      %dma_wait3A_118 = arith.constant 0 : i32
      %dma_wait3A_119 = tpu.memref_slice %arg17[%add3A_24, %dma_wait3A_118] : memref<10000x128xf32, #tpu.memory_space<vmem_shared>> -> memref<64x128xf32, #tpu.memory_space<vmem_shared>>
      %dma_wait3A_120 = arith.constant 0 : i32
      %dma_wait3A_121 = arith.constant 0 : i32
      %dma_wait3A_122 = tpu.memref_slice %arg8[%dma_wait3A_120, %dma_wait3A_121] : memref<80x128xf32, #tpu.memory_space<vmem>> -> memref<64x128xf32, #tpu.memory_space<vmem>>
      tpu.wait_dma2 semaphore(%run_scoped3A : memref<!tpu.dma_semaphore, #tpu.memory_space<semaphore_mem>>) src(%dma_wait3A_122 : memref<64x128xf32, #tpu.memory_space<vmem>>) dst(%dma_wait3A_119 : memref<64x128xf32, #tpu.memory_space<vmem_shared>>)
      tpu.yield
    }) : () -> ()
    %eq3A = arith.constant 0 : i32
    %eq3A_25 = arith.cmpi eq, %arg1, %eq3A : i32
    %convert_element_type3A = arith.extui %eq3A_25 : i1 to i32
    %cond3A = arith.constant 0 : i32
    %cond3A_26 = arith.cmpi ne, %convert_element_type3A, %cond3A : i32
    scf.if %cond3A_26 {
      "tpu.region"() ({
        %run_scoped3A = tpu.sem_alloc : memref<!tpu.dma_semaphore, #tpu.memory_space<semaphore_mem>>
        %dma_start3A_103 = arith.constant 0 : i32
        %dma_start3A_104 = arith.constant 0 : i32
        %dma_start3A_105 = tpu.memref_slice %arg8[%dma_start3A_103, %dma_start3A_104] : memref<80x128xf32, #tpu.memory_space<vmem>> -> memref<16x128xf32, #tpu.memory_space<vmem>>
        %dma_start3A_106 = arith.constant 9984 : i32
        %dma_start3A_107 = arith.constant 0 : i32
        %dma_start3A_108 = tpu.memref_slice %arg17[%dma_start3A_106, %dma_start3A_107] : memref<10000x128xf32, #tpu.memory_space<vmem_shared>> -> memref<16x128xf32, #tpu.memory_space<vmem_shared>>
        %dma_start3A_109 = arith.constant 9984 : i32
        %dma_start3A_110 = arith.constant 0 : i32
        %dma_start3A_111 = tpu.memref_slice %arg17[%dma_start3A_109, %dma_start3A_110] : memref<10000x128xf32, #tpu.memory_space<vmem_shared>> -> memref<16x128xf32, #tpu.memory_space<vmem_shared>>
        %dma_start3A_112 = arith.constant 0 : i32
        %dma_start3A_113 = arith.constant 0 : i32
        %dma_start3A_114 = tpu.memref_slice %arg8[%dma_start3A_112, %dma_start3A_113] : memref<80x128xf32, #tpu.memory_space<vmem>> -> memref<16x128xf32, #tpu.memory_space<vmem>>
        tpu.enqueue_dma source(%dma_start3A_114 : memref<16x128xf32, #tpu.memory_space<vmem>>) target(%dma_start3A_111 : memref<16x128xf32, #tpu.memory_space<vmem_shared>>) target_semaphore(%run_scoped3A : memref<!tpu.dma_semaphore, #tpu.memory_space<semaphore_mem>>)
        %dma_wait3A_115 = arith.constant 0 : i32
        %dma_wait3A_116 = arith.constant 0 : i32
        %dma_wait3A_117 = tpu.memref_slice %arg8[%dma_wait3A_115, %dma_wait3A_116] : memref<80x128xf32, #tpu.memory_space<vmem>> -> memref<16x128xf32, #tpu.memory_space<vmem>>
        %dma_wait3A_118 = arith.constant 9984 : i32
        %dma_wait3A_119 = arith.constant 0 : i32
        %dma_wait3A_120 = tpu.memref_slice %arg17[%dma_wait3A_118, %dma_wait3A_119] : memref<10000x128xf32, #tpu.memory_space<vmem_shared>> -> memref<16x128xf32, #tpu.memory_space<vmem_shared>>
        %dma_wait3A_121 = arith.constant 9984 : i32
        %dma_wait3A_122 = arith.constant 0 : i32
        %dma_wait3A_123 = tpu.memref_slice %arg17[%dma_wait3A_121, %dma_wait3A_122] : memref<10000x128xf32, #tpu.memory_space<vmem_shared>> -> memref<16x128xf32, #tpu.memory_space<vmem_shared>>
        %dma_wait3A_124 = arith.constant 0 : i32
        %dma_wait3A_125 = arith.constant 0 : i32
        %dma_wait3A_126 = tpu.memref_slice %arg8[%dma_wait3A_124, %dma_wait3A_125] : memref<80x128xf32, #tpu.memory_space<vmem>> -> memref<16x128xf32, #tpu.memory_space<vmem>>
        tpu.wait_dma2 semaphore(%run_scoped3A : memref<!tpu.dma_semaphore, #tpu.memory_space<semaphore_mem>>) src(%dma_wait3A_126 : memref<16x128xf32, #tpu.memory_space<vmem>>) dst(%dma_wait3A_123 : memref<16x128xf32, #tpu.memory_space<vmem_shared>>)
        tpu.yield
      }) : () -> ()
    } else {
    }
    %mul3A_27 = arith.constant 10000 : i32
    %mul3A_28 = arith.muli %add3A, %mul3A_27 : i32
    "tpu.region"() ({
      %run_scoped3A = tpu.sem_alloc : memref<!tpu.dma_semaphore, #tpu.memory_space<semaphore_mem>>
      %dma_start3A_103 = tpu.memref_slice %arg4[%mul3A_28] : memref<320000xi32, #tpu.memory_space<hbm>> -> memref<10000xi32, #tpu.memory_space<hbm>>
      %dma_start3A_104 = tpu.memref_slice %arg4[%mul3A_28] : memref<320000xi32, #tpu.memory_space<hbm>> -> memref<10000xi32, #tpu.memory_space<hbm>>
      tpu.enqueue_dma source(%dma_start3A_104 : memref<10000xi32, #tpu.memory_space<hbm>>) target(%arg7 : memref<10000xi32, #tpu.memory_space<vmem>>) target_semaphore(%run_scoped3A : memref<!tpu.dma_semaphore, #tpu.memory_space<semaphore_mem>>)
      %dma_wait3A_105 = tpu.memref_slice %arg4[%mul3A_28] : memref<320000xi32, #tpu.memory_space<hbm>> -> memref<10000xi32, #tpu.memory_space<hbm>>
      %dma_wait3A_106 = tpu.memref_slice %arg4[%mul3A_28] : memref<320000xi32, #tpu.memory_space<hbm>> -> memref<10000xi32, #tpu.memory_space<hbm>>
      tpu.wait_dma2 semaphore(%run_scoped3A : memref<!tpu.dma_semaphore, #tpu.memory_space<semaphore_mem>>) src(%dma_wait3A_106 : memref<10000xi32, #tpu.memory_space<hbm>>) dst(%arg7 : memref<10000xi32, #tpu.memory_space<vmem>>)
      tpu.yield
    }) : () -> ()
    %barrier3A = arith.constant 0 : index
    tpu.barrier barrier_id(%barrier3A)
    %dma_start3A = arith.constant 0 : i32
    %dma_start3A_29 = arith.constant 0 : i32
    %dma_start3A_30 = tpu.memref_slice %arg3[%add3A, %dma_start3A, %dma_start3A_29] : memref<32x125x80xi32, #tpu.memory_space<hbm>> -> memref<1x1x80xi32, #tpu.memory_space<hbm>>
    %dma_start3A_31 = tpu.memref_squeeze %dma_start3A_30 : memref<1x1x80xi32, #tpu.memory_space<hbm>> -> memref<80xi32, #tpu.memory_space<hbm>>
    %dma_start3A_32 = arith.constant 0 : i32
    %dma_start3A_33 = tpu.memref_slice %arg3[%add3A, %dma_start3A, %dma_start3A_32] : memref<32x125x80xi32, #tpu.memory_space<hbm>> -> memref<1x1x80xi32, #tpu.memory_space<hbm>>
    %dma_start3A_34 = tpu.memref_squeeze %dma_start3A_33 : memref<1x1x80xi32, #tpu.memory_space<hbm>> -> memref<80xi32, #tpu.memory_space<hbm>>
    tpu.enqueue_dma source(%dma_start3A_34 : memref<80xi32, #tpu.memory_space<hbm>>) target(%arg11 : memref<80xi32, #tpu.memory_space<vmem>>) target_semaphore(%arg18 : memref<!tpu.dma_semaphore, #tpu.memory_space<semaphore_mem>>)
    %mul3A_35 = arith.constant 10000 : i32
    %mul3A_36 = arith.muli %add3A, %mul3A_35 : i32
    %add3A_37 = arith.constant 0 : i32
    %add3A_38 = arith.addi %mul3A_36, %add3A_37 : i32
    %dma_start3A_39 = tpu.memref_slice %arg5[%add3A_38] : memref<320000xf32, #tpu.memory_space<hbm>> -> memref<80xf32, #tpu.memory_space<hbm>>
    %dma_start3A_40 = tpu.memref_slice %arg5[%add3A_38] : memref<320000xf32, #tpu.memory_space<hbm>> -> memref<80xf32, #tpu.memory_space<hbm>>
    tpu.enqueue_dma source(%dma_start3A_40 : memref<80xf32, #tpu.memory_space<hbm>>) target(%arg14 : memref<80xf32, #tpu.memory_space<vmem>>) target_semaphore(%arg18 : memref<!tpu.dma_semaphore, #tpu.memory_space<semaphore_mem>>)
    %dma_start3A_41 = arith.constant 0 : i32
    %dma_start3A_42 = tpu.memref_slice %arg7[%dma_start3A_41] : memref<10000xi32, #tpu.memory_space<vmem>> -> memref<80xi32, #tpu.memory_space<vmem>>
    %dma_start3A_43 = arith.constant 0 : i32
    %dma_start3A_44 = arith.constant 0 : i32
    %dma_start3A_45 = tpu.memref_slice %arg2[%dma_start3A_43, %dma_start3A_44] : memref<10000x128xf32, #tpu.memory_space<hbm>> -> memref<10000x128xf32, #tpu.memory_space<hbm>>
    tpu.enqueue_indirect_dma source(%dma_start3A_45 : memref<10000x128xf32, #tpu.memory_space<hbm>>) target(%arg8 : memref<80x128xf32, #tpu.memory_space<vmem>>) offsets(%dma_start3A_42 : memref<80xi32, #tpu.memory_space<vmem>>) semaphore(%arg18 : memref<!tpu.dma_semaphore, #tpu.memory_space<semaphore_mem>>)
    %dma_start3A_46 = arith.constant 1 : i32
    %dma_start3A_47 = arith.constant 0 : i32
    %dma_start3A_48 = tpu.memref_slice %arg3[%add3A, %dma_start3A_46, %dma_start3A_47] : memref<32x125x80xi32, #tpu.memory_space<hbm>> -> memref<1x1x80xi32, #tpu.memory_space<hbm>>
    %dma_start3A_49 = tpu.memref_squeeze %dma_start3A_48 : memref<1x1x80xi32, #tpu.memory_space<hbm>> -> memref<80xi32, #tpu.memory_space<hbm>>
    %dma_start3A_50 = arith.constant 0 : i32
    %dma_start3A_51 = tpu.memref_slice %arg3[%add3A, %dma_start3A_46, %dma_start3A_50] : memref<32x125x80xi32, #tpu.memory_space<hbm>> -> memref<1x1x80xi32, #tpu.memory_space<hbm>>
    %dma_start3A_52 = tpu.memref_squeeze %dma_start3A_51 : memref<1x1x80xi32, #tpu.memory_space<hbm>> -> memref<80xi32, #tpu.memory_space<hbm>>
    tpu.enqueue_dma source(%dma_start3A_52 : memref<80xi32, #tpu.memory_space<hbm>>) target(%arg12 : memref<80xi32, #tpu.memory_space<vmem>>) target_semaphore(%arg19 : memref<!tpu.dma_semaphore, #tpu.memory_space<semaphore_mem>>)
    %mul3A_53 = arith.constant 10000 : i32
    %mul3A_54 = arith.muli %add3A, %mul3A_53 : i32
    %add3A_55 = arith.constant 80 : i32
    %add3A_56 = arith.addi %mul3A_54, %add3A_55 : i32
    %dma_start3A_57 = tpu.memref_slice %arg5[%add3A_56] : memref<320000xf32, #tpu.memory_space<hbm>> -> memref<80xf32, #tpu.memory_space<hbm>>
    %dma_start3A_58 = tpu.memref_slice %arg5[%add3A_56] : memref<320000xf32, #tpu.memory_space<hbm>> -> memref<80xf32, #tpu.memory_space<hbm>>
    tpu.enqueue_dma source(%dma_start3A_58 : memref<80xf32, #tpu.memory_space<hbm>>) target(%arg15 : memref<80xf32, #tpu.memory_space<vmem>>) target_semaphore(%arg19 : memref<!tpu.dma_semaphore, #tpu.memory_space<semaphore_mem>>)
    %dma_start3A_59 = arith.constant 80 : i32
    %dma_start3A_60 = tpu.memref_slice %arg7[%dma_start3A_59] : memref<10000xi32, #tpu.memory_space<vmem>> -> memref<80xi32, #tpu.memory_space<vmem>>
    %dma_start3A_61 = arith.constant 0 : i32
    %dma_start3A_62 = arith.constant 0 : i32
    %dma_start3A_63 = tpu.memref_slice %arg2[%dma_start3A_61, %dma_start3A_62] : memref<10000x128xf32, #tpu.memory_space<hbm>> -> memref<10000x128xf32, #tpu.memory_space<hbm>>
    tpu.enqueue_indirect_dma source(%dma_start3A_63 : memref<10000x128xf32, #tpu.memory_space<hbm>>) target(%arg9 : memref<80x128xf32, #tpu.memory_space<vmem>>) offsets(%dma_start3A_60 : memref<80xi32, #tpu.memory_space<vmem>>) semaphore(%arg19 : memref<!tpu.dma_semaphore, #tpu.memory_space<semaphore_mem>>)
    %dma_start3A_64 = arith.constant 2 : i32
    %dma_start3A_65 = arith.constant 0 : i32
    %dma_start3A_66 = tpu.memref_slice %arg3[%add3A, %dma_start3A_64, %dma_start3A_65] : memref<32x125x80xi32, #tpu.memory_space<hbm>> -> memref<1x1x80xi32, #tpu.memory_space<hbm>>
    %dma_start3A_67 = tpu.memref_squeeze %dma_start3A_66 : memref<1x1x80xi32, #tpu.memory_space<hbm>> -> memref<80xi32, #tpu.memory_space<hbm>>
    %dma_start3A_68 = arith.constant 0 : i32
    %dma_start3A_69 = tpu.memref_slice %arg3[%add3A, %dma_start3A_64, %dma_start3A_68] : memref<32x125x80xi32, #tpu.memory_space<hbm>> -> memref<1x1x80xi32, #tpu.memory_space<hbm>>
    %dma_start3A_70 = tpu.memref_squeeze %dma_start3A_69 : memref<1x1x80xi32, #tpu.memory_space<hbm>> -> memref<80xi32, #tpu.memory_space<hbm>>
    tpu.enqueue_dma source(%dma_start3A_70 : memref<80xi32, #tpu.memory_space<hbm>>) target(%arg13 : memref<80xi32, #tpu.memory_space<vmem>>) target_semaphore(%arg20 : memref<!tpu.dma_semaphore, #tpu.memory_space<semaphore_mem>>)
    %mul3A_71 = arith.constant 10000 : i32
    %mul3A_72 = arith.muli %add3A, %mul3A_71 : i32
    %add3A_73 = arith.constant 160 : i32
    %add3A_74 = arith.addi %mul3A_72, %add3A_73 : i32
    %dma_start3A_75 = tpu.memref_slice %arg5[%add3A_74] : memref<320000xf32, #tpu.memory_space<hbm>> -> memref<80xf32, #tpu.memory_space<hbm>>
    %dma_start3A_76 = tpu.memref_slice %arg5[%add3A_74] : memref<320000xf32, #tpu.memory_space<hbm>> -> memref<80xf32, #tpu.memory_space<hbm>>
    tpu.enqueue_dma source(%dma_start3A_76 : memref<80xf32, #tpu.memory_space<hbm>>) target(%arg16 : memref<80xf32, #tpu.memory_space<vmem>>) target_semaphore(%arg20 : memref<!tpu.dma_semaphore, #tpu.memory_space<semaphore_mem>>)
    %dma_start3A_77 = arith.constant 160 : i32
    %dma_start3A_78 = tpu.memref_slice %arg7[%dma_start3A_77] : memref<10000xi32, #tpu.memory_space<vmem>> -> memref<80xi32, #tpu.memory_space<vmem>>
    %dma_start3A_79 = arith.constant 0 : i32
    %dma_start3A_80 = arith.constant 0 : i32
    %dma_start3A_81 = tpu.memref_slice %arg2[%dma_start3A_79, %dma_start3A_80] : memref<10000x128xf32, #tpu.memory_space<hbm>> -> memref<10000x128xf32, #tpu.memory_space<hbm>>
    tpu.enqueue_indirect_dma source(%dma_start3A_81 : memref<10000x128xf32, #tpu.memory_space<hbm>>) target(%arg10 : memref<80x128xf32, #tpu.memory_space<vmem>>) offsets(%dma_start3A_78 : memref<80xi32, #tpu.memory_space<vmem>>) semaphore(%arg20 : memref<!tpu.dma_semaphore, #tpu.memory_space<semaphore_mem>>)
    %scan3A_82 = arith.constant 0 : i32
    %scan3A_83 = arith.constant 0 : i32
    %scan3A_84 = arith.constant 42 : i32
    %scan3A_85 = arith.addi %scan3A_83, %scan3A_84 : i32
    %scan3A_86 = arith.constant 1 : i32
    %scan3A_87 = scf.for %scan3A_103 = %scan3A_83 to %scan3A_85 step %scan3A_86 iter_args(%scan3A_104 = %scan3A_82) -> (i32)  : i32 {
      %mul3A_105 = arith.constant 3 : i32
      %mul3A_106 = arith.muli %scan3A_103, %mul3A_105 : i32
      %add3A_107 = arith.constant 0 : i32
      %add3A_108 = arith.addi %mul3A_106, %add3A_107 : i32
      %lt3A = arith.constant 125 : i32
      %lt3A_109 = arith.cmpi slt, %add3A_108, %lt3A : i32
      %convert_element_type3A_110 = arith.extui %lt3A_109 : i1 to i32
      %cond3A_111 = arith.constant 0 : i32
      %cond3A_112 = arith.cmpi ne, %convert_element_type3A_110, %cond3A_111 : i32
      scf.if %cond3A_112 {
        %dma_wait3A_153 = arith.constant 0 : i32
        %dma_wait3A_154 = tpu.memref_slice %arg3[%add3A, %add3A_108, %dma_wait3A_153] : memref<32x125x80xi32, #tpu.memory_space<hbm>> -> memref<1x1x80xi32, #tpu.memory_space<hbm>>
        %dma_wait3A_155 = tpu.memref_squeeze %dma_wait3A_154 : memref<1x1x80xi32, #tpu.memory_space<hbm>> -> memref<80xi32, #tpu.memory_space<hbm>>
        %dma_wait3A_156 = arith.constant 0 : i32
        %dma_wait3A_157 = tpu.memref_slice %arg3[%add3A, %add3A_108, %dma_wait3A_156] : memref<32x125x80xi32, #tpu.memory_space<hbm>> -> memref<1x1x80xi32, #tpu.memory_space<hbm>>
        %dma_wait3A_158 = tpu.memref_squeeze %dma_wait3A_157 : memref<1x1x80xi32, #tpu.memory_space<hbm>> -> memref<80xi32, #tpu.memory_space<hbm>>
        tpu.wait_dma2 semaphore(%arg18 : memref<!tpu.dma_semaphore, #tpu.memory_space<semaphore_mem>>) src(%dma_wait3A_158 : memref<80xi32, #tpu.memory_space<hbm>>) dst(%arg11 : memref<80xi32, #tpu.memory_space<vmem>>)
        %mul3A_159 = arith.constant 10000 : i32
        %mul3A_160 = arith.muli %add3A, %mul3A_159 : i32
        %mul3A_161 = arith.constant 80 : i32
        %mul3A_162 = arith.muli %add3A_108, %mul3A_161 : i32
        %add3A_163 = arith.addi %mul3A_160, %mul3A_162 : i32
        %dma_wait3A_164 = tpu.memref_slice %arg5[%add3A_163] : memref<320000xf32, #tpu.memory_space<hbm>> -> memref<80xf32, #tpu.memory_space<hbm>>
        %dma_wait3A_165 = tpu.memref_slice %arg5[%add3A_163] : memref<320000xf32, #tpu.memory_space<hbm>> -> memref<80xf32, #tpu.memory_space<hbm>>
        tpu.wait_dma2 semaphore(%arg18 : memref<!tpu.dma_semaphore, #tpu.memory_space<semaphore_mem>>) src(%dma_wait3A_165 : memref<80xf32, #tpu.memory_space<hbm>>) dst(%arg14 : memref<80xf32, #tpu.memory_space<vmem>>)
        %mul3A_166 = arith.constant 80 : i32
        %mul3A_167 = arith.muli %add3A_108, %mul3A_166 : i32
        %dma_wait3A_168 = tpu.memref_slice %arg7[%mul3A_167] : memref<10000xi32, #tpu.memory_space<vmem>> -> memref<80xi32, #tpu.memory_space<vmem>>
        %dma_wait3A_169 = arith.constant 0 : i32
        %dma_wait3A_170 = arith.constant 0 : i32
        %dma_wait3A_171 = tpu.memref_slice %arg2[%dma_wait3A_169, %dma_wait3A_170] : memref<10000x128xf32, #tpu.memory_space<hbm>> -> memref<10000x128xf32, #tpu.memory_space<hbm>>
        tpu.wait_indirect_dma semaphore(%arg18 : memref<!tpu.dma_semaphore, #tpu.memory_space<semaphore_mem>>) src(%dma_wait3A_171 : memref<10000x128xf32, #tpu.memory_space<hbm>>) dst(%arg8 : memref<80x128xf32, #tpu.memory_space<vmem>>)
        %dma_start3A_172 = arith.constant 0 : i32
        %dma_start3A_173 = arith.constant 0 : i32
        %dma_start3A_174 = tpu.memref_slice %arg17[%dma_start3A_172, %dma_start3A_173] : memref<10000x128xf32, #tpu.memory_space<vmem_shared>> -> memref<10000x128xf32, #tpu.memory_space<vmem_shared>>
        tpu.enqueue_indirect_dma source(%arg8 : memref<80x128xf32, #tpu.memory_space<vmem>>) target(%dma_start3A_174 : memref<10000x128xf32, #tpu.memory_space<vmem_shared>>) offsets(%arg11 : memref<80xi32, #tpu.memory_space<vmem>>) semaphore(%arg21 : memref<!tpu.dma_semaphore, #tpu.memory_space<semaphore_mem>>) {add = true}
      } else {
      }
      %add3A_113 = arith.constant 3 : i32
      %add3A_114 = arith.addi %add3A_108, %add3A_113 : i32
      %lt3A_115 = arith.constant 125 : i32
      %lt3A_116 = arith.cmpi slt, %add3A_114, %lt3A_115 : i32
      %convert_element_type3A_117 = arith.extui %lt3A_116 : i1 to i32
      %cond3A_118 = arith.constant 0 : i32
      %cond3A_119 = arith.cmpi ne, %convert_element_type3A_117, %cond3A_118 : i32
      scf.if %cond3A_119 {
        %dma_wait3A_153 = arith.constant 0 : i32
        %dma_wait3A_154 = arith.constant 0 : i32
        %dma_wait3A_155 = tpu.memref_slice %arg17[%dma_wait3A_153, %dma_wait3A_154] : memref<10000x128xf32, #tpu.memory_space<vmem_shared>> -> memref<10000x128xf32, #tpu.memory_space<vmem_shared>>
        tpu.wait_indirect_dma semaphore(%arg21 : memref<!tpu.dma_semaphore, #tpu.memory_space<semaphore_mem>>) src(%arg8 : memref<80x128xf32, #tpu.memory_space<vmem>>) dst(%dma_wait3A_155 : memref<10000x128xf32, #tpu.memory_space<vmem_shared>>)
        %add3A_156 = arith.constant 3 : i32
        %add3A_157 = arith.addi %add3A_108, %add3A_156 : i32
        %dma_start3A_158 = arith.constant 0 : i32
        %dma_start3A_159 = tpu.memref_slice %arg3[%add3A, %add3A_157, %dma_start3A_158] : memref<32x125x80xi32, #tpu.memory_space<hbm>> -> memref<1x1x80xi32, #tpu.memory_space<hbm>>
        %dma_start3A_160 = tpu.memref_squeeze %dma_start3A_159 : memref<1x1x80xi32, #tpu.memory_space<hbm>> -> memref<80xi32, #tpu.memory_space<hbm>>
        %dma_start3A_161 = arith.constant 0 : i32
        %dma_start3A_162 = tpu.memref_slice %arg3[%add3A, %add3A_157, %dma_start3A_161] : memref<32x125x80xi32, #tpu.memory_space<hbm>> -> memref<1x1x80xi32, #tpu.memory_space<hbm>>
        %dma_start3A_163 = tpu.memref_squeeze %dma_start3A_162 : memref<1x1x80xi32, #tpu.memory_space<hbm>> -> memref<80xi32, #tpu.memory_space<hbm>>
        tpu.enqueue_dma source(%dma_start3A_163 : memref<80xi32, #tpu.memory_space<hbm>>) target(%arg11 : memref<80xi32, #tpu.memory_space<vmem>>) target_semaphore(%arg18 : memref<!tpu.dma_semaphore, #tpu.memory_space<semaphore_mem>>)
        %mul3A_164 = arith.constant 10000 : i32
        %mul3A_165 = arith.muli %add3A, %mul3A_164 : i32
        %mul3A_166 = arith.constant 80 : i32
        %mul3A_167 = arith.muli %add3A_157, %mul3A_166 : i32
        %add3A_168 = arith.addi %mul3A_165, %mul3A_167 : i32
        %dma_start3A_169 = tpu.memref_slice %arg5[%add3A_168] : memref<320000xf32, #tpu.memory_space<hbm>> -> memref<80xf32, #tpu.memory_space<hbm>>
        %dma_start3A_170 = tpu.memref_slice %arg5[%add3A_168] : memref<320000xf32, #tpu.memory_space<hbm>> -> memref<80xf32, #tpu.memory_space<hbm>>
        tpu.enqueue_dma source(%dma_start3A_170 : memref<80xf32, #tpu.memory_space<hbm>>) target(%arg14 : memref<80xf32, #tpu.memory_space<vmem>>) target_semaphore(%arg18 : memref<!tpu.dma_semaphore, #tpu.memory_space<semaphore_mem>>)
        %mul3A_171 = arith.constant 80 : i32
        %mul3A_172 = arith.muli %add3A_157, %mul3A_171 : i32
        %dma_start3A_173 = tpu.memref_slice %arg7[%mul3A_172] : memref<10000xi32, #tpu.memory_space<vmem>> -> memref<80xi32, #tpu.memory_space<vmem>>
        %dma_start3A_174 = arith.constant 0 : i32
        %dma_start3A_175 = arith.constant 0 : i32
        %dma_start3A_176 = tpu.memref_slice %arg2[%dma_start3A_174, %dma_start3A_175] : memref<10000x128xf32, #tpu.memory_space<hbm>> -> memref<10000x128xf32, #tpu.memory_space<hbm>>
        tpu.enqueue_indirect_dma source(%dma_start3A_176 : memref<10000x128xf32, #tpu.memory_space<hbm>>) target(%arg8 : memref<80x128xf32, #tpu.memory_space<vmem>>) offsets(%dma_start3A_173 : memref<80xi32, #tpu.memory_space<vmem>>) semaphore(%arg18 : memref<!tpu.dma_semaphore, #tpu.memory_space<semaphore_mem>>)
      } else {
      }
      %mul3A_120 = arith.constant 3 : i32
      %mul3A_121 = arith.muli %scan3A_103, %mul3A_120 : i32
      %add3A_122 = arith.constant 1 : i32
      %add3A_123 = arith.addi %mul3A_121, %add3A_122 : i32
      %lt3A_124 = arith.constant 125 : i32
      %lt3A_125 = arith.cmpi slt, %add3A_123, %lt3A_124 : i32
      %convert_element_type3A_126 = arith.extui %lt3A_125 : i1 to i32
      %cond3A_127 = arith.constant 0 : i32
      %cond3A_128 = arith.cmpi ne, %convert_element_type3A_126, %cond3A_127 : i32
      scf.if %cond3A_128 {
        %dma_wait3A_153 = arith.constant 0 : i32
        %dma_wait3A_154 = tpu.memref_slice %arg3[%add3A, %add3A_123, %dma_wait3A_153] : memref<32x125x80xi32, #tpu.memory_space<hbm>> -> memref<1x1x80xi32, #tpu.memory_space<hbm>>
        %dma_wait3A_155 = tpu.memref_squeeze %dma_wait3A_154 : memref<1x1x80xi32, #tpu.memory_space<hbm>> -> memref<80xi32, #tpu.memory_space<hbm>>
        %dma_wait3A_156 = arith.constant 0 : i32
        %dma_wait3A_157 = tpu.memref_slice %arg3[%add3A, %add3A_123, %dma_wait3A_156] : memref<32x125x80xi32, #tpu.memory_space<hbm>> -> memref<1x1x80xi32, #tpu.memory_space<hbm>>
        %dma_wait3A_158 = tpu.memref_squeeze %dma_wait3A_157 : memref<1x1x80xi32, #tpu.memory_space<hbm>> -> memref<80xi32, #tpu.memory_space<hbm>>
        tpu.wait_dma2 semaphore(%arg19 : memref<!tpu.dma_semaphore, #tpu.memory_space<semaphore_mem>>) src(%dma_wait3A_158 : memref<80xi32, #tpu.memory_space<hbm>>) dst(%arg12 : memref<80xi32, #tpu.memory_space<vmem>>)
        %mul3A_159 = arith.constant 10000 : i32
        %mul3A_160 = arith.muli %add3A, %mul3A_159 : i32
        %mul3A_161 = arith.constant 80 : i32
        %mul3A_162 = arith.muli %add3A_123, %mul3A_161 : i32
        %add3A_163 = arith.addi %mul3A_160, %mul3A_162 : i32
        %dma_wait3A_164 = tpu.memref_slice %arg5[%add3A_163] : memref<320000xf32, #tpu.memory_space<hbm>> -> memref<80xf32, #tpu.memory_space<hbm>>
        %dma_wait3A_165 = tpu.memref_slice %arg5[%add3A_163] : memref<320000xf32, #tpu.memory_space<hbm>> -> memref<80xf32, #tpu.memory_space<hbm>>
        tpu.wait_dma2 semaphore(%arg19 : memref<!tpu.dma_semaphore, #tpu.memory_space<semaphore_mem>>) src(%dma_wait3A_165 : memref<80xf32, #tpu.memory_space<hbm>>) dst(%arg15 : memref<80xf32, #tpu.memory_space<vmem>>)
        %mul3A_166 = arith.constant 80 : i32
        %mul3A_167 = arith.muli %add3A_123, %mul3A_166 : i32
        %dma_wait3A_168 = tpu.memref_slice %arg7[%mul3A_167] : memref<10000xi32, #tpu.memory_space<vmem>> -> memref<80xi32, #tpu.memory_space<vmem>>
        %dma_wait3A_169 = arith.constant 0 : i32
        %dma_wait3A_170 = arith.constant 0 : i32
        %dma_wait3A_171 = tpu.memref_slice %arg2[%dma_wait3A_169, %dma_wait3A_170] : memref<10000x128xf32, #tpu.memory_space<hbm>> -> memref<10000x128xf32, #tpu.memory_space<hbm>>
        tpu.wait_indirect_dma semaphore(%arg19 : memref<!tpu.dma_semaphore, #tpu.memory_space<semaphore_mem>>) src(%dma_wait3A_171 : memref<10000x128xf32, #tpu.memory_space<hbm>>) dst(%arg9 : memref<80x128xf32, #tpu.memory_space<vmem>>)
        %dma_start3A_172 = arith.constant 0 : i32
        %dma_start3A_173 = arith.constant 0 : i32
        %dma_start3A_174 = tpu.memref_slice %arg17[%dma_start3A_172, %dma_start3A_173] : memref<10000x128xf32, #tpu.memory_space<vmem_shared>> -> memref<10000x128xf32, #tpu.memory_space<vmem_shared>>
        tpu.enqueue_indirect_dma source(%arg9 : memref<80x128xf32, #tpu.memory_space<vmem>>) target(%dma_start3A_174 : memref<10000x128xf32, #tpu.memory_space<vmem_shared>>) offsets(%arg12 : memref<80xi32, #tpu.memory_space<vmem>>) semaphore(%arg22 : memref<!tpu.dma_semaphore, #tpu.memory_space<semaphore_mem>>) {add = true}
      } else {
      }
      %add3A_129 = arith.constant 3 : i32
      %add3A_130 = arith.addi %add3A_123, %add3A_129 : i32
      %lt3A_131 = arith.constant 125 : i32
      %lt3A_132 = arith.cmpi slt, %add3A_130, %lt3A_131 : i32
      %convert_element_type3A_133 = arith.extui %lt3A_132 : i1 to i32
      %cond3A_134 = arith.constant 0 : i32
      %cond3A_135 = arith.cmpi ne, %convert_element_type3A_133, %cond3A_134 : i32
      scf.if %cond3A_135 {
        %dma_wait3A_153 = arith.constant 0 : i32
        %dma_wait3A_154 = arith.constant 0 : i32
        %dma_wait3A_155 = tpu.memref_slice %arg17[%dma_wait3A_153, %dma_wait3A_154] : memref<10000x128xf32, #tpu.memory_space<vmem_shared>> -> memref<10000x128xf32, #tpu.memory_space<vmem_shared>>
        tpu.wait_indirect_dma semaphore(%arg22 : memref<!tpu.dma_semaphore, #tpu.memory_space<semaphore_mem>>) src(%arg9 : memref<80x128xf32, #tpu.memory_space<vmem>>) dst(%dma_wait3A_155 : memref<10000x128xf32, #tpu.memory_space<vmem_shared>>)
        %add3A_156 = arith.constant 3 : i32
        %add3A_157 = arith.addi %add3A_123, %add3A_156 : i32
        %dma_start3A_158 = arith.constant 0 : i32
        %dma_start3A_159 = tpu.memref_slice %arg3[%add3A, %add3A_157, %dma_start3A_158] : memref<32x125x80xi32, #tpu.memory_space<hbm>> -> memref<1x1x80xi32, #tpu.memory_space<hbm>>
        %dma_start3A_160 = tpu.memref_squeeze %dma_start3A_159 : memref<1x1x80xi32, #tpu.memory_space<hbm>> -> memref<80xi32, #tpu.memory_space<hbm>>
        %dma_start3A_161 = arith.constant 0 : i32
        %dma_start3A_162 = tpu.memref_slice %arg3[%add3A, %add3A_157, %dma_start3A_161] : memref<32x125x80xi32, #tpu.memory_space<hbm>> -> memref<1x1x80xi32, #tpu.memory_space<hbm>>
        %dma_start3A_163 = tpu.memref_squeeze %dma_start3A_162 : memref<1x1x80xi32, #tpu.memory_space<hbm>> -> memref<80xi32, #tpu.memory_space<hbm>>
        tpu.enqueue_dma source(%dma_start3A_163 : memref<80xi32, #tpu.memory_space<hbm>>) target(%arg12 : memref<80xi32, #tpu.memory_space<vmem>>) target_semaphore(%arg19 : memref<!tpu.dma_semaphore, #tpu.memory_space<semaphore_mem>>)
        %mul3A_164 = arith.constant 10000 : i32
        %mul3A_165 = arith.muli %add3A, %mul3A_164 : i32
        %mul3A_166 = arith.constant 80 : i32
        %mul3A_167 = arith.muli %add3A_157, %mul3A_166 : i32
        %add3A_168 = arith.addi %mul3A_165, %mul3A_167 : i32
        %dma_start3A_169 = tpu.memref_slice %arg5[%add3A_168] : memref<320000xf32, #tpu.memory_space<hbm>> -> memref<80xf32, #tpu.memory_space<hbm>>
        %dma_start3A_170 = tpu.memref_slice %arg5[%add3A_168] : memref<320000xf32, #tpu.memory_space<hbm>> -> memref<80xf32, #tpu.memory_space<hbm>>
        tpu.enqueue_dma source(%dma_start3A_170 : memref<80xf32, #tpu.memory_space<hbm>>) target(%arg15 : memref<80xf32, #tpu.memory_space<vmem>>) target_semaphore(%arg19 : memref<!tpu.dma_semaphore, #tpu.memory_space<semaphore_mem>>)
        %mul3A_171 = arith.constant 80 : i32
        %mul3A_172 = arith.muli %add3A_157, %mul3A_171 : i32
        %dma_start3A_173 = tpu.memref_slice %arg7[%mul3A_172] : memref<10000xi32, #tpu.memory_space<vmem>> -> memref<80xi32, #tpu.memory_space<vmem>>
        %dma_start3A_174 = arith.constant 0 : i32
        %dma_start3A_175 = arith.constant 0 : i32
        %dma_start3A_176 = tpu.memref_slice %arg2[%dma_start3A_174, %dma_start3A_175] : memref<10000x128xf32, #tpu.memory_space<hbm>> -> memref<10000x128xf32, #tpu.memory_space<hbm>>
        tpu.enqueue_indirect_dma source(%dma_start3A_176 : memref<10000x128xf32, #tpu.memory_space<hbm>>) target(%arg9 : memref<80x128xf32, #tpu.memory_space<vmem>>) offsets(%dma_start3A_173 : memref<80xi32, #tpu.memory_space<vmem>>) semaphore(%arg19 : memref<!tpu.dma_semaphore, #tpu.memory_space<semaphore_mem>>)
      } else {
      }
      %mul3A_136 = arith.constant 3 : i32
      %mul3A_137 = arith.muli %scan3A_103, %mul3A_136 : i32
      %add3A_138 = arith.constant 2 : i32
      %add3A_139 = arith.addi %mul3A_137, %add3A_138 : i32
      %lt3A_140 = arith.constant 125 : i32
      %lt3A_141 = arith.cmpi slt, %add3A_139, %lt3A_140 : i32
      %convert_element_type3A_142 = arith.extui %lt3A_141 : i1 to i32
      %cond3A_143 = arith.constant 0 : i32
      %cond3A_144 = arith.cmpi ne, %convert_element_type3A_142, %cond3A_143 : i32
      scf.if %cond3A_144 {
        %dma_wait3A_153 = arith.constant 0 : i32
        %dma_wait3A_154 = tpu.memref_slice %arg3[%add3A, %add3A_139, %dma_wait3A_153] : memref<32x125x80xi32, #tpu.memory_space<hbm>> -> memref<1x1x80xi32, #tpu.memory_space<hbm>>
        %dma_wait3A_155 = tpu.memref_squeeze %dma_wait3A_154 : memref<1x1x80xi32, #tpu.memory_space<hbm>> -> memref<80xi32, #tpu.memory_space<hbm>>
        %dma_wait3A_156 = arith.constant 0 : i32
        %dma_wait3A_157 = tpu.memref_slice %arg3[%add3A, %add3A_139, %dma_wait3A_156] : memref<32x125x80xi32, #tpu.memory_space<hbm>> -> memref<1x1x80xi32, #tpu.memory_space<hbm>>
        %dma_wait3A_158 = tpu.memref_squeeze %dma_wait3A_157 : memref<1x1x80xi32, #tpu.memory_space<hbm>> -> memref<80xi32, #tpu.memory_space<hbm>>
        tpu.wait_dma2 semaphore(%arg20 : memref<!tpu.dma_semaphore, #tpu.memory_space<semaphore_mem>>) src(%dma_wait3A_158 : memref<80xi32, #tpu.memory_space<hbm>>) dst(%arg13 : memref<80xi32, #tpu.memory_space<vmem>>)
        %mul3A_159 = arith.constant 10000 : i32
        %mul3A_160 = arith.muli %add3A, %mul3A_159 : i32
        %mul3A_161 = arith.constant 80 : i32
        %mul3A_162 = arith.muli %add3A_139, %mul3A_161 : i32
        %add3A_163 = arith.addi %mul3A_160, %mul3A_162 : i32
        %dma_wait3A_164 = tpu.memref_slice %arg5[%add3A_163] : memref<320000xf32, #tpu.memory_space<hbm>> -> memref<80xf32, #tpu.memory_space<hbm>>
        %dma_wait3A_165 = tpu.memref_slice %arg5[%add3A_163] : memref<320000xf32, #tpu.memory_space<hbm>> -> memref<80xf32, #tpu.memory_space<hbm>>
        tpu.wait_dma2 semaphore(%arg20 : memref<!tpu.dma_semaphore, #tpu.memory_space<semaphore_mem>>) src(%dma_wait3A_165 : memref<80xf32, #tpu.memory_space<hbm>>) dst(%arg16 : memref<80xf32, #tpu.memory_space<vmem>>)
        %mul3A_166 = arith.constant 80 : i32
        %mul3A_167 = arith.muli %add3A_139, %mul3A_166 : i32
        %dma_wait3A_168 = tpu.memref_slice %arg7[%mul3A_167] : memref<10000xi32, #tpu.memory_space<vmem>> -> memref<80xi32, #tpu.memory_space<vmem>>
        %dma_wait3A_169 = arith.constant 0 : i32
        %dma_wait3A_170 = arith.constant 0 : i32
        %dma_wait3A_171 = tpu.memref_slice %arg2[%dma_wait3A_169, %dma_wait3A_170] : memref<10000x128xf32, #tpu.memory_space<hbm>> -> memref<10000x128xf32, #tpu.memory_space<hbm>>
        tpu.wait_indirect_dma semaphore(%arg20 : memref<!tpu.dma_semaphore, #tpu.memory_space<semaphore_mem>>) src(%dma_wait3A_171 : memref<10000x128xf32, #tpu.memory_space<hbm>>) dst(%arg10 : memref<80x128xf32, #tpu.memory_space<vmem>>)
        %dma_start3A_172 = arith.constant 0 : i32
        %dma_start3A_173 = arith.constant 0 : i32
        %dma_start3A_174 = tpu.memref_slice %arg17[%dma_start3A_172, %dma_start3A_173] : memref<10000x128xf32, #tpu.memory_space<vmem_shared>> -> memref<10000x128xf32, #tpu.memory_space<vmem_shared>>
        tpu.enqueue_indirect_dma source(%arg10 : memref<80x128xf32, #tpu.memory_space<vmem>>) target(%dma_start3A_174 : memref<10000x128xf32, #tpu.memory_space<vmem_shared>>) offsets(%arg13 : memref<80xi32, #tpu.memory_space<vmem>>) semaphore(%arg23 : memref<!tpu.dma_semaphore, #tpu.memory_space<semaphore_mem>>) {add = true}
      } else {
      }
      %add3A_145 = arith.constant 3 : i32
      %add3A_146 = arith.addi %add3A_139, %add3A_145 : i32
      %lt3A_147 = arith.constant 125 : i32
      %lt3A_148 = arith.cmpi slt, %add3A_146, %lt3A_147 : i32
      %convert_element_type3A_149 = arith.extui %lt3A_148 : i1 to i32
      %cond3A_150 = arith.constant 0 : i32
      %cond3A_151 = arith.cmpi ne, %convert_element_type3A_149, %cond3A_150 : i32
      scf.if %cond3A_151 {
        %dma_wait3A_153 = arith.constant 0 : i32
        %dma_wait3A_154 = arith.constant 0 : i32
        %dma_wait3A_155 = tpu.memref_slice %arg17[%dma_wait3A_153, %dma_wait3A_154] : memref<10000x128xf32, #tpu.memory_space<vmem_shared>> -> memref<10000x128xf32, #tpu.memory_space<vmem_shared>>
        tpu.wait_indirect_dma semaphore(%arg23 : memref<!tpu.dma_semaphore, #tpu.memory_space<semaphore_mem>>) src(%arg10 : memref<80x128xf32, #tpu.memory_space<vmem>>) dst(%dma_wait3A_155 : memref<10000x128xf32, #tpu.memory_space<vmem_shared>>)
        %add3A_156 = arith.constant 3 : i32
        %add3A_157 = arith.addi %add3A_139, %add3A_156 : i32
        %dma_start3A_158 = arith.constant 0 : i32
        %dma_start3A_159 = tpu.memref_slice %arg3[%add3A, %add3A_157, %dma_start3A_158] : memref<32x125x80xi32, #tpu.memory_space<hbm>> -> memref<1x1x80xi32, #tpu.memory_space<hbm>>
        %dma_start3A_160 = tpu.memref_squeeze %dma_start3A_159 : memref<1x1x80xi32, #tpu.memory_space<hbm>> -> memref<80xi32, #tpu.memory_space<hbm>>
        %dma_start3A_161 = arith.constant 0 : i32
        %dma_start3A_162 = tpu.memref_slice %arg3[%add3A, %add3A_157, %dma_start3A_161] : memref<32x125x80xi32, #tpu.memory_space<hbm>> -> memref<1x1x80xi32, #tpu.memory_space<hbm>>
        %dma_start3A_163 = tpu.memref_squeeze %dma_start3A_162 : memref<1x1x80xi32, #tpu.memory_space<hbm>> -> memref<80xi32, #tpu.memory_space<hbm>>
        tpu.enqueue_dma source(%dma_start3A_163 : memref<80xi32, #tpu.memory_space<hbm>>) target(%arg13 : memref<80xi32, #tpu.memory_space<vmem>>) target_semaphore(%arg20 : memref<!tpu.dma_semaphore, #tpu.memory_space<semaphore_mem>>)
        %mul3A_164 = arith.constant 10000 : i32
        %mul3A_165 = arith.muli %add3A, %mul3A_164 : i32
        %mul3A_166 = arith.constant 80 : i32
        %mul3A_167 = arith.muli %add3A_157, %mul3A_166 : i32
        %add3A_168 = arith.addi %mul3A_165, %mul3A_167 : i32
        %dma_start3A_169 = tpu.memref_slice %arg5[%add3A_168] : memref<320000xf32, #tpu.memory_space<hbm>> -> memref<80xf32, #tpu.memory_space<hbm>>
        %dma_start3A_170 = tpu.memref_slice %arg5[%add3A_168] : memref<320000xf32, #tpu.memory_space<hbm>> -> memref<80xf32, #tpu.memory_space<hbm>>
        tpu.enqueue_dma source(%dma_start3A_170 : memref<80xf32, #tpu.memory_space<hbm>>) target(%arg16 : memref<80xf32, #tpu.memory_space<vmem>>) target_semaphore(%arg20 : memref<!tpu.dma_semaphore, #tpu.memory_space<semaphore_mem>>)
        %mul3A_171 = arith.constant 80 : i32
        %mul3A_172 = arith.muli %add3A_157, %mul3A_171 : i32
        %dma_start3A_173 = tpu.memref_slice %arg7[%mul3A_172] : memref<10000xi32, #tpu.memory_space<vmem>> -> memref<80xi32, #tpu.memory_space<vmem>>
        %dma_start3A_174 = arith.constant 0 : i32
        %dma_start3A_175 = arith.constant 0 : i32
        %dma_start3A_176 = tpu.memref_slice %arg2[%dma_start3A_174, %dma_start3A_175] : memref<10000x128xf32, #tpu.memory_space<hbm>> -> memref<10000x128xf32, #tpu.memory_space<hbm>>
        tpu.enqueue_indirect_dma source(%dma_start3A_176 : memref<10000x128xf32, #tpu.memory_space<hbm>>) target(%arg10 : memref<80x128xf32, #tpu.memory_space<vmem>>) offsets(%dma_start3A_173 : memref<80xi32, #tpu.memory_space<vmem>>) semaphore(%arg20 : memref<!tpu.dma_semaphore, #tpu.memory_space<semaphore_mem>>)
      } else {
      }
      %scan3A_152 = arith.constant 0 : i32
      scf.yield %scan3A_152 : i32
    }
    %scan3A_88 = arith.constant 42 : i32
    %dma_wait3A = arith.constant 0 : i32
    %dma_wait3A_89 = arith.constant 0 : i32
    %dma_wait3A_90 = tpu.memref_slice %arg17[%dma_wait3A, %dma_wait3A_89] : memref<10000x128xf32, #tpu.memory_space<vmem_shared>> -> memref<10000x128xf32, #tpu.memory_space<vmem_shared>>
    tpu.wait_indirect_dma semaphore(%arg21 : memref<!tpu.dma_semaphore, #tpu.memory_space<semaphore_mem>>) src(%arg8 : memref<80x128xf32, #tpu.memory_space<vmem>>) dst(%dma_wait3A_90 : memref<10000x128xf32, #tpu.memory_space<vmem_shared>>)
    %dma_wait3A_91 = arith.constant 0 : i32
    %dma_wait3A_92 = arith.constant 0 : i32
    %dma_wait3A_93 = tpu.memref_slice %arg17[%dma_wait3A_91, %dma_wait3A_92] : memref<10000x128xf32, #tpu.memory_space<vmem_shared>> -> memref<10000x128xf32, #tpu.memory_space<vmem_shared>>
    tpu.wait_indirect_dma semaphore(%arg22 : memref<!tpu.dma_semaphore, #tpu.memory_space<semaphore_mem>>) src(%arg9 : memref<80x128xf32, #tpu.memory_space<vmem>>) dst(%dma_wait3A_93 : memref<10000x128xf32, #tpu.memory_space<vmem_shared>>)
    %dma_wait3A_94 = arith.constant 0 : i32
    %dma_wait3A_95 = arith.constant 0 : i32
    %dma_wait3A_96 = tpu.memref_slice %arg17[%dma_wait3A_94, %dma_wait3A_95] : memref<10000x128xf32, #tpu.memory_space<vmem_shared>> -> memref<10000x128xf32, #tpu.memory_space<vmem_shared>>
    tpu.wait_indirect_dma semaphore(%arg23 : memref<!tpu.dma_semaphore, #tpu.memory_space<semaphore_mem>>) src(%arg10 : memref<80x128xf32, #tpu.memory_space<vmem>>) dst(%dma_wait3A_96 : memref<10000x128xf32, #tpu.memory_space<vmem_shared>>)
    %barrier3A_97 = arith.constant 0 : index
    tpu.barrier barrier_id(%barrier3A_97)
    "tpu.region"() ({
      %run_scoped3A = tpu.sem_alloc : memref<!tpu.dma_semaphore, #tpu.memory_space<semaphore_mem>>
      %dma_start3A_103 = arith.constant 0 : i32
      %dma_start3A_104 = tpu.memref_slice %arg6[%arg0, %multiple_of3A, %dma_start3A_103] : memref<2x10000x128xf32, #tpu.memory_space<hbm>> -> memref<1x624x128xf32, #tpu.memory_space<hbm>>
      %dma_start3A_105 = tpu.memref_squeeze %dma_start3A_104 : memref<1x624x128xf32, #tpu.memory_space<hbm>> -> memref<624x128xf32, #tpu.memory_space<hbm>>
      %dma_start3A_106 = arith.constant 0 : i32
      %dma_start3A_107 = tpu.memref_slice %arg17[%multiple_of3A, %dma_start3A_106] : memref<10000x128xf32, #tpu.memory_space<vmem_shared>> -> memref<624x128xf32, #tpu.memory_space<vmem_shared>>
      tpu.enqueue_dma source(%dma_start3A_107 : memref<624x128xf32, #tpu.memory_space<vmem_shared>>) target(%dma_start3A_105 : memref<624x128xf32, #tpu.memory_space<hbm>>) target_semaphore(%run_scoped3A : memref<!tpu.dma_semaphore, #tpu.memory_space<semaphore_mem>>)
      %dma_wait3A_108 = arith.constant 0 : i32
      %dma_wait3A_109 = tpu.memref_slice %arg6[%arg0, %multiple_of3A, %dma_wait3A_108] : memref<2x10000x128xf32, #tpu.memory_space<hbm>> -> memref<1x624x128xf32, #tpu.memory_space<hbm>>
      %dma_wait3A_110 = tpu.memref_squeeze %dma_wait3A_109 : memref<1x624x128xf32, #tpu.memory_space<hbm>> -> memref<624x128xf32, #tpu.memory_space<hbm>>
      %dma_wait3A_111 = arith.constant 0 : i32
      %dma_wait3A_112 = tpu.memref_slice %arg17[%multiple_of3A, %dma_wait3A_111] : memref<10000x128xf32, #tpu.memory_space<vmem_shared>> -> memref<624x128xf32, #tpu.memory_space<vmem_shared>>
      tpu.wait_dma2 semaphore(%run_scoped3A : memref<!tpu.dma_semaphore, #tpu.memory_space<semaphore_mem>>) src(%dma_wait3A_112 : memref<624x128xf32, #tpu.memory_space<vmem_shared>>) dst(%dma_wait3A_110 : memref<624x128xf32, #tpu.memory_space<hbm>>)
      tpu.yield
    }) : () -> ()
    %eq3A_98 = arith.constant 0 : i32
    %eq3A_99 = arith.cmpi eq, %arg1, %eq3A_98 : i32
    %convert_element_type3A_100 = arith.extui %eq3A_99 : i1 to i32
    %cond3A_101 = arith.constant 0 : i32
    %cond3A_102 = arith.cmpi ne, %convert_element_type3A_100, %cond3A_101 : i32
    scf.if %cond3A_102 {
      "tpu.region"() ({
        %run_scoped3A = tpu.sem_alloc : memref<!tpu.dma_semaphore, #tpu.memory_space<semaphore_mem>>
        %dma_start3A_103 = arith.constant 9984 : i32
        %dma_start3A_104 = arith.constant 0 : i32
        %dma_start3A_105 = tpu.memref_slice %arg6[%arg0, %dma_start3A_103, %dma_start3A_104] : memref<2x10000x128xf32, #tpu.memory_space<hbm>> -> memref<1x16x128xf32, #tpu.memory_space<hbm>>
        %dma_start3A_106 = tpu.memref_squeeze %dma_start3A_105 : memref<1x16x128xf32, #tpu.memory_space<hbm>> -> memref<16x128xf32, #tpu.memory_space<hbm>>
        %dma_start3A_107 = arith.constant 9984 : i32
        %dma_start3A_108 = arith.constant 0 : i32
        %dma_start3A_109 = tpu.memref_slice %arg17[%dma_start3A_107, %dma_start3A_108] : memref<10000x128xf32, #tpu.memory_space<vmem_shared>> -> memref<16x128xf32, #tpu.memory_space<vmem_shared>>
        tpu.enqueue_dma source(%dma_start3A_109 : memref<16x128xf32, #tpu.memory_space<vmem_shared>>) target(%dma_start3A_106 : memref<16x128xf32, #tpu.memory_space<hbm>>) target_semaphore(%run_scoped3A : memref<!tpu.dma_semaphore, #tpu.memory_space<semaphore_mem>>)
        %dma_wait3A_110 = arith.constant 9984 : i32
        %dma_wait3A_111 = arith.constant 0 : i32
        %dma_wait3A_112 = tpu.memref_slice %arg6[%arg0, %dma_wait3A_110, %dma_wait3A_111] : memref<2x10000x128xf32, #tpu.memory_space<hbm>> -> memref<1x16x128xf32, #tpu.memory_space<hbm>>
        %dma_wait3A_113 = tpu.memref_squeeze %dma_wait3A_112 : memref<1x16x128xf32, #tpu.memory_space<hbm>> -> memref<16x128xf32, #tpu.memory_space<hbm>>
        %dma_wait3A_114 = arith.constant 9984 : i32
        %dma_wait3A_115 = arith.constant 0 : i32
        %dma_wait3A_116 = tpu.memref_slice %arg17[%dma_wait3A_114, %dma_wait3A_115] : memref<10000x128xf32, #tpu.memory_space<vmem_shared>> -> memref<16x128xf32, #tpu.memory_space<vmem_shared>>
        tpu.wait_dma2 semaphore(%run_scoped3A : memref<!tpu.dma_semaphore, #tpu.memory_space<semaphore_mem>>) src(%dma_wait3A_116 : memref<16x128xf32, #tpu.memory_space<vmem_shared>>) dst(%dma_wait3A_113 : memref<16x128xf32, #tpu.memory_space<hbm>>)
        tpu.yield
      }) : () -> ()
    } else {
    }
    return
  }
}

module attributes {stable_mosaic.version = 14 : i64} {
  func.func @body(%arg0: i32, %arg1: memref<1000x128xf32, #tpu.memory_space<vmem>>, %arg2: memref<128x128xf32, #tpu.memory_space<vmem>>, %arg3: memref<128x1xf32, #tpu.memory_space<vmem>>, %arg4: memref<128x1xf32, #tpu.memory_space<vmem>>, %arg5: memref<1000x128xf32, #tpu.memory_space<vmem>>, %arg6: memref<1000x1xf32, #tpu.memory_space<vmem>>, %arg7: memref<1000x1xf32, #tpu.memory_space<vmem>>) attributes {dimension_semantics = [#tpu.dimension_semantics<arbitrary>], iteration_bounds = array<i64: 10>, scalar_prefetch = 0 : i64, scratch_operands = 0 : i64, tpu.core_type = #tpu.core_type<tc>, window_params = [{transform_indices = @transform_0, window_bounds = array<i64: 1000, 128>}, {pipeline_mode = #tpu.pipeline_mode<synchronous>, transform_indices = @transform_1, window_bounds = array<i64: 128, 128>}, {pipeline_mode = #tpu.pipeline_mode<synchronous>, transform_indices = @transform_2, window_bounds = array<i64: 128, 1>}, {pipeline_mode = #tpu.pipeline_mode<synchronous>, transform_indices = @transform_3, window_bounds = array<i64: 128, 1>}, {transform_indices = @transform_4, window_bounds = array<i64: 1000, 128>}, {transform_indices = @transform_5, window_bounds = array<i64: 1000, 1>}, {transform_indices = @transform_6, window_bounds = array<i64: 1000, 1>}]} {
    %get3A = arith.constant 0 : index
    %get3A_0 = arith.constant 0 : index
    %get3A_1 = vector.load %arg1[%get3A, %get3A_0] : memref<1000x128xf32, #tpu.memory_space<vmem>>, vector<1000x128xf32>
    %get3A_2 = arith.constant 0 : index
    %get3A_3 = arith.constant 0 : index
    %get3A_4 = vector.load %arg2[%get3A_2, %get3A_3] : memref<128x128xf32, #tpu.memory_space<vmem>>, vector<128x128xf32>
    %dot_general3A = arith.constant dense<0.000000e+00> : vector<1000x128xf32>
    %dot_general3A_5 = tpu.matmul %get3A_1, %get3A_4, %dot_general3A {dimension_numbers = #tpu.dot_dimension_numbers<[1], [0], [0], [1], [0, 0, 1, 1], [], []>, transpose_lhs_hint = false} : vector<1000x128xf32>, vector<128x128xf32>, vector<1000x128xf32> -> vector<1000x128xf32>
    %swap3A = arith.constant 0 : index
    %swap3A_6 = arith.constant 0 : index
    %swap3A_7 = vector.load %arg5[%swap3A, %swap3A_6] : memref<1000x128xf32, #tpu.memory_space<vmem>>, vector<1000x128xf32>
    tpu.vector_store %arg5[%swap3A, %swap3A_6], %dot_general3A_5 {strides = array<i32>} : memref<1000x128xf32, #tpu.memory_space<vmem>>, vector<1000x128xf32>,
    %get3A_8 = arith.constant 0 : index
    %get3A_9 = arith.constant 0 : index
    %get3A_10 = vector.load %arg3[%get3A_8, %get3A_9] : memref<128x1xf32, #tpu.memory_space<vmem>>, vector<128x1xf32>
    %dot_general3A_11 = arith.constant dense<0.000000e+00> : vector<1000x1xf32>
    %dot_general3A_12 = tpu.matmul %dot_general3A_5, %get3A_10, %dot_general3A_11 {dimension_numbers = #tpu.dot_dimension_numbers<[1], [0], [0], [1], [0, 0, 1, 1], [], []>, transpose_lhs_hint = false} : vector<1000x128xf32>, vector<128x1xf32>, vector<1000x1xf32> -> vector<1000x1xf32>
    %swap3A_13 = arith.constant 0 : index
    %swap3A_14 = arith.constant 0 : index
    %swap3A_15 = vector.load %arg6[%swap3A_13, %swap3A_14] : memref<1000x1xf32, #tpu.memory_space<vmem>>, vector<1000x1xf32>
    tpu.vector_store %arg6[%swap3A_13, %swap3A_14], %dot_general3A_12 {strides = array<i32>} : memref<1000x1xf32, #tpu.memory_space<vmem>>, vector<1000x1xf32>,
    %get3A_16 = arith.constant 0 : index
    %get3A_17 = arith.constant 0 : index
    %get3A_18 = vector.load %arg4[%get3A_16, %get3A_17] : memref<128x1xf32, #tpu.memory_space<vmem>>, vector<128x1xf32>
    %dot_general3A_19 = arith.constant dense<0.000000e+00> : vector<1000x1xf32>
    %dot_general3A_20 = tpu.matmul %dot_general3A_5, %get3A_18, %dot_general3A_19 {dimension_numbers = #tpu.dot_dimension_numbers<[1], [0], [0], [1], [0, 0, 1, 1], [], []>, transpose_lhs_hint = false} : vector<1000x128xf32>, vector<128x1xf32>, vector<1000x1xf32> -> vector<1000x1xf32>
    %swap3A_21 = arith.constant 0 : index
    %swap3A_22 = arith.constant 0 : index
    %swap3A_23 = vector.load %arg7[%swap3A_21, %swap3A_22] : memref<1000x1xf32, #tpu.memory_space<vmem>>, vector<1000x1xf32>
    tpu.vector_store %arg7[%swap3A_21, %swap3A_22], %dot_general3A_20 {strides = array<i32>} : memref<1000x1xf32, #tpu.memory_space<vmem>>, vector<1000x1xf32>,
    return
  }
  func.func @transform_0(%arg0: i32) -> (i32, i32) {
    %c0_i32 = arith.constant 0 : i32
    %c0_i32_0 = arith.constant 0 : i32
    return %arg0, %c0_i32 : i32, i32
  }
  func.func @transform_1(%arg0: i32) -> (i32, i32) {
    %c0_i32 = arith.constant 0 : i32
    %c0_i32_0 = arith.constant 0 : i32
    %c0_i32_1 = arith.constant 0 : i32
    return %c0_i32, %c0_i32_0 : i32, i32
  }
  func.func @transform_2(%arg0: i32) -> (i32, i32) {
    %c0_i32 = arith.constant 0 : i32
    %c0_i32_0 = arith.constant 0 : i32
    %c0_i32_1 = arith.constant 0 : i32
    return %c0_i32, %c0_i32_0 : i32, i32
  }
  func.func @transform_3(%arg0: i32) -> (i32, i32) {
    %c0_i32 = arith.constant 0 : i32
    %c0_i32_0 = arith.constant 0 : i32
    %c0_i32_1 = arith.constant 0 : i32
    return %c0_i32, %c0_i32_0 : i32, i32
  }
  func.func @transform_4(%arg0: i32) -> (i32, i32) {
    %c0_i32 = arith.constant 0 : i32
    %c0_i32_0 = arith.constant 0 : i32
    return %arg0, %c0_i32 : i32, i32
  }
  func.func @transform_5(%arg0: i32) -> (i32, i32) {
    %c0_i32 = arith.constant 0 : i32
    %c0_i32_0 = arith.constant 0 : i32
    return %arg0, %c0_i32 : i32, i32
  }
  func.func @transform_6(%arg0: i32) -> (i32, i32) {
    %c0_i32 = arith.constant 0 : i32
    %c0_i32_0 = arith.constant 0 : i32
    return %arg0, %c0_i32 : i32, i32
  }
}

module attributes {stable_mosaic.version = 14 : i64} {
  func.func @body(%arg0: i32, %arg1: memref<2500x128xf32, #tpu.memory_space<vmem>>, %arg2: memref<2500x128xf32, #tpu.memory_space<vmem>>, %arg3: memref<8x128xf32, #tpu.memory_space<vmem>>) attributes {dimension_semantics = [#tpu.dimension_semantics<arbitrary>], iteration_bounds = array<i64: 1>, scalar_prefetch = 0 : i64, scratch_operands = 0 : i64, tpu.core_type = #tpu.core_type<tc>, window_params = [{pipeline_mode = #tpu.pipeline_mode<synchronous>, transform_indices = @transform_0, window_bounds = array<i64: 2500, 128>}, {pipeline_mode = #tpu.pipeline_mode<synchronous>, transform_indices = @transform_1, window_bounds = array<i64: 2500, 128>}, {pipeline_mode = #tpu.pipeline_mode<synchronous>, transform_indices = @transform_2, window_bounds = array<i64: 8, 128>}]} {
    %get3A = arith.constant 0 : index
    %get3A_0 = arith.constant 0 : index
    %get3A_1 = vector.load %arg1[%get3A, %get3A_0] : memref<2500x128xf32, #tpu.memory_space<vmem>>, vector<2500x128xf32>
    %exp3A = math.exp %get3A_1 : vector<2500x128xf32>
    %reduce_max3A = vector.shape_cast %exp3A : vector<2500x128xf32> to vector<1x2500x128xf32>
    %reduce_max3A_2 = arith.constant dense<0xFF800000> : vector<1xf32>
    %reduce_max3A_3 = vector.multi_reduction <maximumf>, %reduce_max3A, %reduce_max3A_2 [1, 2] : vector<1x2500x128xf32> to vector<1xf32>
    %reduce_max3A_4 = vector.shape_cast %reduce_max3A_3 : vector<1xf32> to vector<1x1x1xf32>
    %reduce_max3A_5 = vector.extract %reduce_max3A_4[0, 0, 0] : f32 from vector<1x1x1xf32>
    %sub3A = vector.broadcast %reduce_max3A_5 : f32 to vector<2500x128xf32>
    %sub3A_6 = arith.subf %exp3A, %sub3A : vector<2500x128xf32>
    %exp3A_7 = math.exp %sub3A_6 : vector<2500x128xf32>
    %swap3A = arith.constant 0 : index
    %swap3A_8 = arith.constant 0 : index
    %swap3A_9 = vector.load %arg2[%swap3A, %swap3A_8] : memref<2500x128xf32, #tpu.memory_space<vmem>>, vector<2500x128xf32>
    tpu.vector_store %arg2[%swap3A, %swap3A_8], %exp3A_7 {strides = array<i32>} : memref<2500x128xf32, #tpu.memory_space<vmem>>, vector<2500x128xf32>,
    %reduce_sum3A = vector.shape_cast %exp3A_7 : vector<2500x128xf32> to vector<1x2500x128xf32>
    %reduce_sum3A_10 = arith.constant dense<0.000000e+00> : vector<1xf32>
    %reduce_sum3A_11 = vector.multi_reduction <add>, %reduce_sum3A, %reduce_sum3A_10 [1, 2] : vector<1x2500x128xf32> to vector<1xf32>
    %reduce_sum3A_12 = vector.shape_cast %reduce_sum3A_11 : vector<1xf32> to vector<1x1x1xf32>
    %reduce_sum3A_13 = vector.extract %reduce_sum3A_12[0, 0, 0] : f32 from vector<1x1x1xf32>
    %broadcast_in_dim3A = vector.broadcast %reduce_sum3A_13 : f32 to vector<8x128xf32>
    %swap3A_14 = arith.constant 0 : index
    %swap3A_15 = arith.constant 0 : index
    %swap3A_16 = vector.load %arg3[%swap3A_14, %swap3A_15] : memref<8x128xf32, #tpu.memory_space<vmem>>, vector<8x128xf32>
    tpu.vector_store %arg3[%swap3A_14, %swap3A_15], %broadcast_in_dim3A {strides = array<i32>} : memref<8x128xf32, #tpu.memory_space<vmem>>, vector<8x128xf32>,
    return
  }
  func.func @transform_0(%arg0: i32) -> (i32, i32) {
    %c0_i32 = arith.constant 0 : i32
    %c0_i32_0 = arith.constant 0 : i32
    %c0_i32_1 = arith.constant 0 : i32
    return %c0_i32, %c0_i32_0 : i32, i32
  }
  func.func @transform_1(%arg0: i32) -> (i32, i32) {
    %c0_i32 = arith.constant 0 : i32
    %c0_i32_0 = arith.constant 0 : i32
    %c0_i32_1 = arith.constant 0 : i32
    return %c0_i32, %c0_i32_0 : i32, i32
  }
  func.func @transform_2(%arg0: i32) -> (i32, i32) {
    %c0_i32 = arith.constant 0 : i32
    %c0_i32_0 = arith.constant 0 : i32
    %c0_i32_1 = arith.constant 0 : i32
    return %c0_i32, %c0_i32_0 : i32, i32
  }
}

module attributes {stable_mosaic.version = 14 : i64} {
  func.func @body(%arg0: i32, %arg1: memref<1000x128xf32, #tpu.memory_space<vmem>>, %arg2: memref<1000x128xf32, #tpu.memory_space<vmem>>, %arg3: memref<8x128xf32, #tpu.memory_space<vmem>>, %arg4: memref<1000x128xf32, #tpu.memory_space<vmem>>) attributes {dimension_semantics = [#tpu.dimension_semantics<arbitrary>], iteration_bounds = array<i64: 10>, scalar_prefetch = 0 : i64, scratch_operands = 0 : i64, tpu.core_type = #tpu.core_type<tc>, window_params = [{transform_indices = @transform_0, window_bounds = array<i64: 1000, 128>}, {transform_indices = @transform_1, window_bounds = array<i64: 1000, 128>}, {pipeline_mode = #tpu.pipeline_mode<synchronous>, transform_indices = @transform_2, window_bounds = array<i64: 8, 128>}, {transform_indices = @transform_3, window_bounds = array<i64: 1000, 128>}]} {
    %get3A = arith.constant 0 : index
    %get3A_0 = arith.constant 0 : index
    %get3A_1 = vector.load %arg3[%get3A, %get3A_0] : memref<8x128xf32, #tpu.memory_space<vmem>>, vector<8x128xf32>
    %reduce_max3A = vector.shape_cast %get3A_1 : vector<8x128xf32> to vector<1x8x128xf32>
    %reduce_max3A_2 = arith.constant dense<0xFF800000> : vector<1xf32>
    %reduce_max3A_3 = vector.multi_reduction <maximumf>, %reduce_max3A, %reduce_max3A_2 [1, 2] : vector<1x8x128xf32> to vector<1xf32>
    %reduce_max3A_4 = vector.shape_cast %reduce_max3A_3 : vector<1xf32> to vector<1x1x1xf32>
    %reduce_max3A_5 = vector.extract %reduce_max3A_4[0, 0, 0] : f32 from vector<1x1x1xf32>
    %get3A_6 = arith.constant 0 : index
    %get3A_7 = arith.constant 0 : index
    %get3A_8 = vector.load %arg1[%get3A_6, %get3A_7] : memref<1000x128xf32, #tpu.memory_space<vmem>>, vector<1000x128xf32>
    %get3A_9 = arith.constant 0 : index
    %get3A_10 = arith.constant 0 : index
    %get3A_11 = vector.load %arg2[%get3A_9, %get3A_10] : memref<1000x128xf32, #tpu.memory_space<vmem>>, vector<1000x128xf32>
    %add3A = arith.addf %get3A_8, %get3A_11 : vector<1000x128xf32>
    %div3A = vector.broadcast %reduce_max3A_5 : f32 to vector<1000x128xf32>
    %div3A_12 = arith.divf %add3A, %div3A : vector<1000x128xf32>
    %gt3A = arith.constant 0.000000e+00 : f32
    %gt3A_13 = vector.broadcast %gt3A : f32 to vector<1000x128xf32>
    %gt3A_14 = arith.cmpf ogt, %div3A_12, %gt3A_13 : vector<1000x128xf32>
    %exp3A = math.exp %div3A_12 : vector<1000x128xf32>
    %sub3A = arith.constant 1.000000e+00 : f32
    %sub3A_15 = vector.broadcast %sub3A : f32 to vector<1000x128xf32>
    %sub3A_16 = arith.subf %exp3A, %sub3A_15 : vector<1000x128xf32>
    %select_n3A = arith.select %gt3A_14, %div3A_12, %sub3A_16 : vector<1000x128xi1>, vector<1000x128xf32>
    %swap3A = arith.constant 0 : index
    %swap3A_17 = arith.constant 0 : index
    %swap3A_18 = vector.load %arg4[%swap3A, %swap3A_17] : memref<1000x128xf32, #tpu.memory_space<vmem>>, vector<1000x128xf32>
    tpu.vector_store %arg4[%swap3A, %swap3A_17], %select_n3A {strides = array<i32>} : memref<1000x128xf32, #tpu.memory_space<vmem>>, vector<1000x128xf32>,
    return
  }
  func.func @transform_0(%arg0: i32) -> (i32, i32) {
    %c0_i32 = arith.constant 0 : i32
    %c0_i32_0 = arith.constant 0 : i32
    return %arg0, %c0_i32 : i32, i32
  }
  func.func @transform_1(%arg0: i32) -> (i32, i32) {
    %c0_i32 = arith.constant 0 : i32
    %c0_i32_0 = arith.constant 0 : i32
    return %arg0, %c0_i32 : i32, i32
  }
  func.func @transform_2(%arg0: i32) -> (i32, i32) {
    %c0_i32 = arith.constant 0 : i32
    %c0_i32_0 = arith.constant 0 : i32
    %c0_i32_1 = arith.constant 0 : i32
    return %c0_i32, %c0_i32_0 : i32, i32
  }
  func.func @transform_3(%arg0: i32) -> (i32, i32) {
    %c0_i32 = arith.constant 0 : i32
    %c0_i32_0 = arith.constant 0 : i32
    return %arg0, %c0_i32 : i32, i32
  }
}

</mosaic_0001>

<sc_bundles>
// kernel: kernel.10.cloned.1.call-start
scs
__scs_entry_jumppad:
0x0: {  	(pc) =	sbr.rel $0x88, $3  }
0x1: {  	(tag) =	ssettag $0x0;
	lr =	simm.s32 $0x1  }
0x2: {  	[smem:$0x3F9D] =	sst lr;
	_ =	strace $0xD0000000  }
0x3: {  	_ = 	snop  }
0x4: {  	_ = 	snop  }
0x5: {  	_ = 	snop  }
0x6: {  	_ = 	snop  }
0x7: {  	_ = 	snop  }
__scs_overlays_trampoline_lowered:
0x8: {  	[smem:$0x3FAC] =	sst s0  }
0x9: {  	[smem:$0x3FAD] =	sst s1  }
0xa: {  	[smem:$0x3FAE] =	sst s2  }
0xb: {  	[smem:$0x3FAF] =	sst s3  }
0xc: {  	[smem:$0x3FB0] =	sst s4  }
0xd: {  	[smem:$0x3FB1] =	sst s5  }
0xe: {  	[smem:$0x3FB2] =	sst s6  }
0xf: {  	[smem:$0x3FB3] =	sst s7  }
0x10: {  	[smem:$0x3FB4] =	sst s8  }
0x11: {  	[smem:$0x3FB5] =	sst s9;
	s0 =	simm.s32 @!p0 $0x0  }
0x12: {  	s1 =	sld [smem:$0x3F9B];
	s0 =	simm.s32 @p0 $0x1  }
0x13: {  	[smem:$0x3FB6] =	sst s0;
	s0 =	simm.s32 @!p1 $0x0  }
0x14: {  	s2 =	sld [smem:$0x3F9A];
	s0 =	simm.s32 @p1 $0x1  }
0x15: {  	[smem:$0x3FB7] =	sst s0;
	s0 =	simm.s32 @!p2 $0x0  }
0x16: {  	s3 =	sld [smem:$0x3FDB];
	s0 =	simm.s32 @p2 $0x1  }
0x17: {  	s4 =	simm.s32 $0x1BF5;
	[smem:$0x3FB9] =	sst s0  }
0x18: {  	s0 =	sld [smem:$0x3F9C];
	_ =	swait.ge [sflag:s4], $0x0  }
0x19: {  	s7 =	sld [smem:$0x3F9D]  }
0x1a: {  	s8 =	sadd.s32 $0xFFFFE003, lr  }
0x1b: {  	s9 =	sadd.s32 $0xFFFFFEF7, lr;
	s5 =	simm.s32 $0xFFFFFFFF;
	p2 =	slt.u32 s8, $0xFFFFF086  }
0x1c: {  	p1 =	slt.u32 s9, $0xF7A;
	s5 =	simm.s32 @!p2 $0x0  }
0x1d: {  	s5 =	simm.s32 @p1 $0x1;
	p0 =	seq.s32 s7, s2  }
0x1e: {  	s7 =	smul.u32 @!p0 $0xF7A, s2;
	p2 =	seq.s32 @!p0 s5, $0x0  }
0x1f: {  	s9 =	smul.u32 $0xF7A, s1;
	s8 =	simm.s32 @!p0 $0x1BF5;
	p2 =	por !p2, p0  }
0x20: {  	[sflag:s8] =	ssyncset.s32 @!p0 $0xFFFFF086;
	s6 =	sadd.s32 @!p0 s3, s7;
	s7 =	simm.s32 @!p0 $0x108  }
0x21: {  	s3 =	sadd.s32 s3, s9;
	s6 =	sadd.s32 @!p0 $0x88, s6;
	s7 =	simm.s32 @p2 $0x1082  }
0x22: {  	[simem:s7], [sflag:s8] =	dma.local @!p0 [hbm:s6], $0xF7A  }
0x23: {  	s9 =	sor.u32 $0xD0000000, s2;
	s6 =	simm.s32 $0x108;
	_ =	swait.ge @!p0 [sflag:s8], $0x0  }
0x24: {  	s3 =	sadd.s32 $0x88, s3;
	s6 =	simm.s32 @!p1 $0x1082;
	[sflag:s4] =	ssyncset.s32 $0xFFFFF086  }
0x25: {  	[simem:s6], [sflag:s4] =	dma.local [hbm:s3], $0xF7A  }
0x26: {  	[smem:$0x3F9D] =	sst s1;
	(tag) =	ssettag s2;
	_ =	strace s9  }
0x27: {  	s1 =	sld [smem:$0x3FAD]  }
0x28: {  	s2 =	sld [smem:$0x3FAE]  }
0x29: {  	s4 =	sld [smem:$0x3FB0]  }
0x2a: {  	p0 =	seq.s32 s5, $0x0;
	s5 =	sld [smem:$0x3FB1]  }
0x2b: {  	s6 =	sld [smem:$0x3FB2]  }
0x2c: {  	s7 =	sld [smem:$0x3FB3]  }
0x2d: {  	s3 =	simm.s32 $0x108;
	s8 =	sld [smem:$0x3FB4]  }
0x2e: {  	s3 =	simm.s32 @!p0 $0x1082;
	s9 =	sld [smem:$0x3FB5]  }
0x2f: {  	lr =	sadd.s32 s0, s3;
	s0 =	sld [smem:$0x3FAC]  }
0x30: {  	s3 =	sld [smem:$0x3FAF]  }
0x31: {  	[smem:$0x3FB8] =	sst s10  }
0x32: {  	s10 =	sld [smem:$0x3FB6];
	_ =	sdelay $0x3  }
0x33: {  	p0 =	seq.s32 s10, $0x1;
	s10 =	sld [smem:$0x3FB8];
	_ =	sdelay $0x3  }
0x34: {  	[smem:$0x3FB8] =	sst s10  }
0x35: {  	s10 =	sld [smem:$0x3FB7];
	_ =	sdelay $0x3  }
0x36: {  	p1 =	seq.s32 s10, $0x1;
	s10 =	sld [smem:$0x3FB8];
	_ =	sdelay $0x3  }
0x37: {  	[smem:$0x3FB8] =	sst s10  }
0x38: {  	s10 =	sld [smem:$0x3FB9]  }
0x39: {  	_ = 	snop;
	(pc) =	sbr.ind lr, $3  }
0x3a: {  	_ = 	snop  }
0x3b: {  	_ = 	snop  }
0x3c: {  	p2 =	seq.s32 s10, $0x1;
	s10 =	sld [smem:$0x3FB8]  }
0x3d: {  	_ =	shalt  }
0x3e: {  	_ =	shalt  }
0x3f: {  	_ =	shalt  }
0x40: {  	_ =	shalt  }
0x41: {  	_ =	shalt  }
0x42: {  	_ =	shalt  }
0x43: {  	_ =	shalt  }
0x44: {  	_ =	shalt  }
0x45: {  	_ =	shalt  }
0x46: {  	_ =	shalt  }
0x47: {  	_ =	shalt  }
0x48: {  	_ =	shalt  }
0x49: {  	_ =	shalt  }
0x4a: {  	_ =	shalt  }
0x4b: {  	_ =	shalt  }
0x4c: {  	_ =	shalt  }
0x4d: {  	_ =	shalt  }
0x4e: {  	_ =	shalt  }
0x4f: {  	_ =	shalt  }
0x50: {  	_ =	shalt  }
0x51: {  	_ =	shalt  }
0x52: {  	_ =	shalt  }
0x53: {  	_ =	shalt  }
0x54: {  	_ =	shalt  }
0x55: {  	_ =	shalt  }
0x56: {  	_ =	shalt  }
0x57: {  	_ =	shalt  }
0x58: {  	_ =	shalt  }
0x59: {  	_ =	shalt  }
0x5a: {  	_ =	shalt  }
0x5b: {  	_ =	shalt  }
0x5c: {  	_ =	shalt  }
0x5d: {  	_ =	shalt  }
0x5e: {  	_ =	shalt  }
0x5f: {  	_ =	shalt  }
0x60: {  	_ =	shalt  }
0x61: {  	_ =	shalt  }
0x62: {  	_ =	shalt  }
0x63: {  	_ =	shalt  }
0x64: {  	_ =	shalt  }
0x65: {  	_ =	shalt  }
0x66: {  	_ =	shalt  }
0x67: {  	_ =	shalt  }
0x68: {  	_ =	shalt  }
0x69: {  	_ =	shalt  }
0x6a: {  	_ =	shalt  }
0x6b: {  	_ =	shalt  }
0x6c: {  	_ =	shalt  }
0x6d: {  	_ =	shalt  }
0x6e: {  	_ =	shalt  }
0x6f: {  	_ =	shalt  }
0x70: {  	_ =	shalt  }
0x71: {  	_ =	shalt  }
0x72: {  	_ =	shalt  }
0x73: {  	_ =	shalt  }
0x74: {  	_ =	shalt  }
0x75: {  	_ =	shalt  }
0x76: {  	_ =	shalt  }
0x77: {  	_ =	shalt  }
0x78: {  	_ =	shalt  }
0x79: {  	_ =	shalt  }
0x7a: {  	_ =	shalt  }
0x7b: {  	_ =	shalt  }
0x7c: {  	_ =	shalt  }
0x7d: {  	_ =	shalt  }
0x7e: {  	_ =	shalt  }
0x7f: {  	_ =	shalt  }
0x80: {  	_ =	shalt  }
0x81: {  	_ =	shalt  }
0x82: {  	_ =	shalt  }
0x83: {  	_ =	shalt  }
0x84: {  	_ =	shalt  }
0x85: {  	_ =	shalt  }
0x86: {  	_ =	shalt  }
0x87: {  	_ =	shalt  }
.Lfunc_end0:
.L_simem_size_0:
called_computation.1_lowered:
.L_overlay_start_0:
0x88: {  	s2 =	sld [smem:$0x3FD9]  }
0x89: {  	s3 =	sld [smem:$0x3FFE];
	_ =	sdelay $0x1  }
0x8a: {  	s1 =	srdreg.scid  }
0x8b: {  	s0 =	sand.u32 $0x1, s1  }
0x8c: {  	s17 =	sshll.u32 s0, $0xA;
	s2 =	sadd.s32 s3, s2  }
0x8d: {  	s2 =	sadd.s32 s2, s17  }
0x8e: {  	[smem:$0x3FC4] =	sst s2  }
0x8f: {  	_ = 	snop  }
0x90: {  	s2 =	sld [smem:$0x3FD0];
	(tm) =	ssettm $0x1  }
0x91: {  	s18 =	sld [smem:$0x3FFB];
	_ =	sdelay $0x3  }
0x92: {  	_ =	strace s18  }
0x93: {  	s3 =	sld [smem:$0x3FFC];
	_ =	sdelay $0x3  }
0x94: {  	_ =	strace s3  }
0x95: {  	s3 =	sld [smem:$0x3FFD];
	_ =	sdelay $0x3  }
0x96: {  	_ =	strace s3  }
0x97: {  	_ =	strace $0x8FFFFFFF  }
0x98: {  	s19 =	sld [smem:$0x3FDB];
	_ =	sdelay $0x1  }
0x99: {  	s4 =	simm.s32 $_scs_section_size  }
0x9a: {  	s5 =	simm.s32 $_size__tile_overlayer_lowered;
	s6 =	simm.s32 $_tile_overlayer_lowered  }
0x9b: {  	s22 =	simm.s32 $0x1BFF;
	s21 =	sshll.u32 s6, $0x1;
	s3 =	sadd.s32 s4, s19  }
0x9c: {  	s7 =	simm.s32 $0x0;
	s20 =	sshll.u32 s5, $0x1;
	s5 =	sadd.s32 s21, s3  }
0x9d: {  	[timem:s7], [sflag:s22] =	dma.local [hbm:s5], s20  }
0x9e: {  	_ =	swait.ge [sflag:s22], s20  }
0x9f: {  	s4 =	ssub.s32 $0x0, s20;
	[sflag:s22] =	ssyncset.done $0x0  }
0xa0: {  	[sflag:s22] =	ssyncadd.s32 s4;
	_ =	sdelay $0x1  }
0xa1: {  	s23 =	simm.s32 $0x1B8B  }
0xa2: {  	_ =	swait.ge [sflag:s23], $0x1  }
0xa3: {  	[sflag:s23] =	ssyncset.done $0x0  }
0xa4: {  	s25 =	simm.s32 $0x1B8E;
	s24 =	sld [smem:$0x3FFE];
	[sflag:s23] =	ssyncadd.s32 $0xFFFFFFFF  }
0xa5: {  	s26 =	simm.s32 $execute0_lowered;
	[smem:$0x3FD2] =	sst s25  }
0xa6: {  	s5 =	sshll.u32 s26, $0x1;
	_ =	strace $0x80000049;
	[dreg:$0x1] =	wrdreg $0xFFFFFFFF  }
0xa7: {  	s28 =	simm.s32 $_size_execute0_lowered;
	s3 =	sadd.s32 s3, s5;
	[dreg:$0x0] =	wrdreg $0x0  }
0xa8: {  	s5 =	sshll.u32 s28, $0x1;
	[dreg:$0x2] =	wrdreg s3  }
0xa9: {  	[dreg:$0x3] =	wrdreg s5  }
0xaa: {  	[dreg:$0x4] =	wrdreg $0xC0  }
0xab: {  	_ =	task [dreg:s7], $0x5FFFF  }
0xac: {  	[dreg:$0x1] =	wrdreg $0xFFFFFFFF  }
0xad: {  	[dreg:$0x0] =	wrdreg $0x60  }
0xae: {  	[dreg:$0x2] =	wrdreg s2  }
0xaf: {  	[dreg:$0x3] =	wrdreg s24  }
0xb0: {  	[dreg:$0x4] =	wrdreg $0xA2800  }
0xb1: {  	[dreg:$0x5] =	wrdreg $0x9  }
0xb2: {  	_ =	task.clear_ibuf [dreg:s7], $0x6FFFF;
	_ =	strace $0x90000049  }
0xb3: {  	s29 =	simm.s32 $0x9;
	_ =	strace $0x8000004B  }
0xb4: {  	_ =	swait.ge [sflag:s29], $0x1  }
0xb5: {  	[sflag:s29] =	ssyncadd.s32 $0xFFFFFFFF  }
0xb6: {  	_ =	strace $0x9000004B  }
0xb7: {  	_ =	sfence  }
0xb8: {  	s30 =	sld [smem:$0x0];
	_ =	sdelay $0x2  }
0xb9: {  	s31 =	sshll.u32 s1, $0xD;
	s1 =	sshrl.u32 s1, $0x2  }
0xba: {  	s3 =	sand.u32 $0x4000, s31;
	s1 =	sadd.s32 s1, s30  }
0xbb: {  	s0 =	sor.u32 s3, s0;
	s1 =	sshll.u32 s1, $0x11  }
0xbc: {  	s0 =	sor.u32 s1, s0  }
0xbd: {  	s0 =	sadd.s32 $0x8F2B, s0  }
0xbe: {  	[sflag:s0] =	ssyncadd.remote.s32 $0x1  }
0xbf: {  	_ =	sfence.sel $0xFFFF  }
0xc0: {  	[dreg:$0x0] =	wrdreg $0xFFFFFFFF;
	(pc) =	sbr.abs _section_cstart, $3  }
0xc1: {  	[dreg:$0x1] =	wrdreg $0xFFFFFFFF  }
0xc2: {  	_ =	task.clear_ibuf [dreg:s7], $0x2FFFF;
	_ =	strace $0x9FFFFFFF  }
0xc3: {  	(tm) =	ssettm $0x7FFFFFFF  }
tec
execute0_lowered:
.L_overlay_start_1:
0x0: {  	(tag) =	ssettag $0x1  }
0x1: {  	s1 =	rddreg [dreg:$0x0]  }
0x2: {  	s0 =	srdreg.scid;
	s7 =	rddreg [dreg:$0x1]  }
0x3: {  	s14 =	stileid.u32;
	s3 =	rddreg [dreg:$0x2];
	s4 =	simm.s32 $0x0  }
0x4: {  	s31 =	simm.s32 $0x2780;
	s0 =	sand.u32 $0x1, s0;
	s9 =	smul.u32 $0x4E000, s14  }
0x5: {  	s2 =	sshll.u32 s14, $0x1;
	[smem:$0x7FF] =	sst s4;
	s30 =	smul.u32 $0x13800, s14  }
0x6: {  	s6 =	sadd.s32 $0x800, s7;
	s12 =	sadd.s32 $0x2EE00, s7;
	s28 =	smul.u32 $0x138800, s0  }
0x7: {  	s2 =	sor.u32 s0, s2;
	s11 =	ssub.s32 $0x2, s0;
	s0 =	smul.u32 $0x2710, s0  }
0x8: {  	p0 =	sne.s32 s14, $0x0;
	_ =	strace $0x8000004A;
	s5 =	smul.u32 $0x2710, s2  }
0x9: {  	s9 =	sshrl.u32 s9, $0x2;
	s13 =	sshrl.u32 s11, $0x1;
	s17 =	sshll.u32 s2, $0xE  }
0xa: {  	s2 =	sshll.u32 s2, $0xB;
	s18 =	sadd.s32 s9, s3;
	s9 =	ssub.s32 s11, s13  }
0xb: {  	s16 =	sadd.s32 s30, s28;
	s20 =	sadd.s32 $0x2800, s18;
	[dreg:$0x4] =	wrdreg s18  }
0xc: {  	s11 =	simm.s32 $0xA180;
	s21 =	sadd.s32 $0x5000, s18;
	[dreg:$0x5] =	wrdreg s20  }
0xd: {  	s13 =	simm.s32 $0xA080;
	s22 =	sadd.s32 $0x7800, s18;
	[dreg:$0x6] =	wrdreg s21  }
0xe: {  	s8 =	sshrl.u32 s5, $0x3;
	s23 =	sadd.s32 $0xA000, s18;
	[dreg:$0x7] =	wrdreg s22  }
0xf: {  	s5 =	sadd.s32 $0x1EE00, s7;
	s24 =	sadd.s32 $0xC800, s18;
	[dreg:$0x8] =	wrdreg s23  }
0x10: {  	s25 =	sadd.s32 $0xF000, s18;
	s26 =	sadd.s32 $0x11800, s18;
	[dreg:$0x9] =	wrdreg s24  }
0x11: {  	s9 =	smax.u32 s9, $0x1;
	s10 =	sadd.s32 s8, s7;
	[dreg:$0xa] =	wrdreg s25  }
0x12: {  	[dreg:$0xb] =	wrdreg s26;
	s26 =	sadd.s32 $0x138000, s3;
	s7 =	smul.u32 $0x4E20, s14  }
0x13: {  	s15 =	sadd.s32 s5, s2;
	s19 =	sadd.s32 s6, s8;
	[dreg:$0x12] =	wrdreg s9  }
0x14: {  	s2 =	sshrl.u32 s16, $0x3;
	s20 =	sshrl.u32 s28, $0x3;
	[dreg:$0xe] =	wrdreg s15  }
0x15: {  	s9 =	simm.s32 $0x50;
	s14 =	simm.s32 $0x7780;
	[dreg:$0xf] =	wrdreg s19  }
0x16: {  	s16 =	simm.s32 $0x1;
	s29 =	sadd.s32 $0xA600, s10;
	[dreg:$0xc] =	wrdreg s26  }
0x17: {  	s2 =	sadd.s32 s12, s2;
	s21 =	sadd.s32 s12, s20;
	[dreg:$0xd] =	wrdreg s29  }
0x18: {  	s25 =	sadd.s32 $0x10, s15;
	s28 =	sadd.s32 $0xA, s19;
	[dreg:$0x10] =	wrdreg s2  }
0x19: {  	s30 =	sadd.s32 $0x14, s19;
	s10 =	simm.s32 $0xA000;
	[dreg:$0x16] =	wrdreg s25  }
0x1a: {  	s12 =	simm.s32 $0x4F80;
	s20 =	simm.s32 $0x2;
	[dreg:$0x17] =	wrdreg s28  }
0x1b: {  	s0 =	sadd.s32 s0, s7;
	s2 =	sadd.s32 $0x27000, s21;
	[dreg:$0x19] =	wrdreg s30  }
0x1c: {  	s29 =	sadd.s32 $0x20, s15;
	s21 =	simm.s32 $0x4;
	[dreg:$0x11] =	wrdreg s2  }
0x1d: {  	s22 =	sadd.s32 $0x190, s0;
	s23 =	sadd.s32 $0x140, s0;
	s0 =	sadd.s32 $0xF0, s0  }
.Ltmp0:
0x1e: {  	[dreg:$0x18] =	wrdreg s29;
	s2 =	sshrl.u32 s22, $0x3;
	(pc) =	sbr.rel .LBB2_1-.Ltmp0, $4  }
0x1f: {  	s8 =	sshrl.u32 s23, $0x3;
	[dreg:$0x15] =	wrdreg s0;
	s0 =	simm.s32 $0x9F80  }
0x20: {  	s22 =	simm.s32 $0x5;
	s23 =	simm.s32 $0x3;
	s2 =	sadd.s32 s2, s6  }
0x21: {  	s24 =	sadd.s32 s8, s6;
	s8 =	simm.s32 $0xA100;
	[dreg:$0x13] =	wrdreg s2  }
0x22: {  	v0 =	vimm.f32 $0.0e+00;
	[dreg:$0x14] =	wrdreg s24;
	s2 =	simm.s32 $0x7;
	s24 =	simm.s32 $0x0  }
.LBB2_8:
0x23: {  	_ =	swait.ge [sflag:s20], $0x80  }
0x24: {  	[sflag:s20] =	ssyncset.done $0x0  }
0x25: {  	[sflag:s20] =	ssyncadd.s32 $0xFFFFFF80  }
0x26: {  	_ =	swait.ge [sflag:s20], $0x50  }
0x27: {  	[sflag:s20] =	ssyncset.done $0x0  }
0x28: {  	[sflag:s20] =	ssyncadd.s32 $0xFFFFFFB0  }
0x29: {  	_ =	swait.ge [sflag:s20], $0x2800  }
0x2a: {  	[sflag:s20] =	ssyncset.done $0x0  }
0x2b: {  	[sflag:s20] =	ssyncadd.s32 $0xFFFFD800  }
0x2c: {  	[spmem:s3] =	stream.indirect.scatter.add.f32 [tilespmem:s12], [sflag:$0x5], $0x80, s10, s9, $0xb8;
	[tilespmem:$0x1DB00] =	vst v63  }
.LBB2_6:
0x2d: {  	_ =	swait.ge [sflag:s21], $0x2800  }
0x2e: {  	[sflag:s21] =	ssyncset.done $0x0  }
0x2f: {  	[sflag:s21] =	ssyncadd.s32 $0xFFFFD800  }
0x30: {  	_ =	swait.ge [sflag:s22], $0x2800  }
0x31: {  	[sflag:s22] =	ssyncset.done $0x0  }
0x32: {  	s7 =	simm.s32 $0x6;
	[sflag:s22] =	ssyncadd.s32 $0xFFFFD800  }
0x33: {  	_ =	swait.ge [sflag:s7], $0x2800  }
0x34: {  	[sflag:s7] =	ssyncset.done $0x0  }
0x35: {  	[sflag:s7] =	ssyncadd.s32 $0xFFFFD800  }
0x36: {  	s29 =	stileid.u32;
	[bflag:$0x0] =	sbarrier.arrive $0xFFFF  }
0x37: {  	s7 =	sshll.u32 s29, $0x6;
	s18 =	rddreg [dreg:$0x4]  }
0x38: {  	s7 =	sor.u32 $0x1C07, s7;
	s19 =	rddreg [dreg:$0x10];
	s15 =	sshrl.u32 s18, $0x3  }
0x39: {  	[hbm:s19], [sflag:s7] =	dma.local [spmem:s15], $0x2700  }
0x3a: {  	_ =	swait.ge [sflag:s2], $0x2700  }
0x3b: {  	[sflag:s2] =	ssyncset.done $0x0;
	s26 =	rddreg [dreg:$0xc]  }
0x3c: {  	s19 =	rddreg [dreg:$0x11];
	[sflag:s2] =	ssyncadd.s32 $0xFFFFD900;
	s15 =	sshrl.u32 @!p0 s26, $0x3  }
0x3d: {  	[hbm:s19], [sflag:s7] =	dma.local @!p0 [spmem:s15], $0x100  }
0x3e: {  	s7 =	simm.s32 @!p0 $0x7  }
0x3f: {  	_ =	swait.ge @!p0 [sflag:s7], $0x100  }
0x40: {  	s24 =	sadd.s32 $0x1, s24;
	s30 =	rddreg [dreg:$0x12]  }
0x41: {  	p1 =	sne.s32 s24, s30  }
.Ltmp1:
0x42: {  	_ = 	snop;
	(pc) =	sbr.rel @!p1 .LBB2_7-.Ltmp1, $3  }
0x43: {  	_ =	sdelay $0x1  }
0x44: {  	[sflag:s7] =	ssyncset.done @!p0 $0x0  }
0x45: {  	[sflag:s7] =	ssyncadd.s32 @!p0 $0xFFFFFF00  }
.LBB2_1:
0x46: {  	s19 =	simm.s32 $0x0;
	s25 =	simm.s32 $0x200  }
.LBB2_2:
0x47: {  	p1 =	sne.s32 s25, $0x9E00;
	[tilespmem:s19+$0x27F0] =	vst v0  }
0x48: {  	[tilespmem:s19+$0x2780] =	vst v0  }
0x49: {  	[tilespmem:s19+$0x2790] =	vst v0  }
.Ltmp2:
0x4a: {  	[tilespmem:s19+$0x27A0] =	vst v0;
	(pc) =	sbr.rel @p1 .LBB2_2-.Ltmp2, $4  }
0x4b: {  	[tilespmem:s19+$0x27B0] =	vst v0  }
0x4c: {  	[tilespmem:s19+$0x27C0] =	vst v0  }
0x4d: {  	[tilespmem:s19+$0x27D0] =	vst v0  }
0x4e: {  	[tilespmem:s19+$0x27E0] =	vst v0;
	s19 =	sshra.s32 s25, $0x2;
	s25 =	sadd.s32 $0x200, s25  }
0x4f: {  	[tilespmem:s19+$0x27F0] =	vst v0  }
0x50: {  	[tilespmem:s19+$0x2780] =	vst v0  }
0x51: {  	[tilespmem:s19+$0x2790] =	vst v0  }
0x52: {  	[tilespmem:s19+$0x27A0] =	vst v0  }
0x53: {  	[tilespmem:s19+$0x27B0] =	vst v0  }
0x54: {  	[tilespmem:s19+$0x27C0] =	vst v0  }
0x55: {  	[tilespmem:s19+$0x27D0] =	vst v0  }
0x56: {  	[tilespmem:s19+$0x27E0] =	vst v0  }
0x57: {  	[spmem:s18] =	stream.linear.scatter [tilespmem:s31], [sflag:$0x7], $0x2800, $0x38;
	[tilespmem:$0x1DB00] =	vst v63  }
0x58: {  	_ =	swait.ge [sflag:s2], $0x2800  }
0x59: {  	[sflag:s2] =	ssyncset.done $0x0  }
0x5a: {  	s7 =	rddreg [dreg:$0x5];
	[sflag:s2] =	ssyncadd.s32 $0xFFFFD800  }
0x5b: {  	[spmem:s7] =	stream.linear.scatter [tilespmem:s31], [sflag:$0x7], $0x2800, $0x38;
	[tilespmem:$0x1DB00] =	vst v63  }
0x5c: {  	_ =	swait.ge [sflag:s2], $0x2800  }
0x5d: {  	[sflag:s2] =	ssyncset.done $0x0  }
0x5e: {  	s19 =	rddreg [dreg:$0x6];
	[sflag:s2] =	ssyncadd.s32 $0xFFFFD800  }
0x5f: {  	[spmem:s19] =	stream.linear.scatter [tilespmem:s31], [sflag:$0x7], $0x2800, $0x38;
	[tilespmem:$0x1DB00] =	vst v63  }
0x60: {  	_ =	swait.ge [sflag:s2], $0x2800  }
0x61: {  	[sflag:s2] =	ssyncset.done $0x0  }
0x62: {  	s25 =	rddreg [dreg:$0x7];
	[sflag:s2] =	ssyncadd.s32 $0xFFFFD800  }
0x63: {  	[spmem:s25] =	stream.linear.scatter [tilespmem:s31], [sflag:$0x7], $0x2800, $0x38;
	[tilespmem:$0x1DB00] =	vst v63  }
0x64: {  	_ =	swait.ge [sflag:s2], $0x2800  }
0x65: {  	[sflag:s2] =	ssyncset.done $0x0  }
0x66: {  	s15 =	rddreg [dreg:$0x8];
	[sflag:s2] =	ssyncadd.s32 $0xFFFFD800  }
0x67: {  	[spmem:s15] =	stream.linear.scatter [tilespmem:s31], [sflag:$0x7], $0x2800, $0x38;
	[tilespmem:$0x1DB00] =	vst v63  }
0x68: {  	_ =	swait.ge [sflag:s2], $0x2800  }
0x69: {  	[sflag:s2] =	ssyncset.done $0x0  }
0x6a: {  	s18 =	rddreg [dreg:$0x9];
	[sflag:s2] =	ssyncadd.s32 $0xFFFFD800  }
0x6b: {  	[spmem:s18] =	stream.linear.scatter [tilespmem:s31], [sflag:$0x7], $0x2800, $0x38;
	[tilespmem:$0x1DB00] =	vst v63  }
0x6c: {  	_ =	swait.ge [sflag:s2], $0x2800  }
0x6d: {  	[sflag:s2] =	ssyncset.done $0x0  }
0x6e: {  	s19 =	rddreg [dreg:$0xa];
	[sflag:s2] =	ssyncadd.s32 $0xFFFFD800  }
0x6f: {  	[spmem:s19] =	stream.linear.scatter [tilespmem:s31], [sflag:$0x7], $0x2800, $0x38;
	[tilespmem:$0x1DB00] =	vst v63  }
0x70: {  	_ =	swait.ge [sflag:s2], $0x2800  }
0x71: {  	[sflag:s2] =	ssyncset.done $0x0  }
0x72: {  	s25 =	rddreg [dreg:$0xb];
	[sflag:s2] =	ssyncadd.s32 $0xFFFFD800  }
0x73: {  	[spmem:s25] =	stream.linear.scatter [tilespmem:s31], [sflag:$0x7], $0x2000, $0x38;
	[tilespmem:$0x1DB00] =	vst v63  }
0x74: {  	_ =	swait.ge [sflag:s2], $0x2000  }
0x75: {  	[sflag:s2] =	ssyncset.done $0x0  }
0x76: {  	s19 =	simm.s32 @!p0 $0x2780;
	[sflag:s2] =	ssyncadd.s32 $0xFFFFE000  }
0x77: {  	[spmem:s26] =	stream.linear.scatter @!p0 [tilespmem:s19], [sflag:$0x7], $0x800, $0x38;
	[tilespmem:$0x1DB00] =	vst v63  }
0x78: {  	s19 =	simm.s32 @!p0 $0x7  }
0x79: {  	_ =	swait.ge @!p0 [sflag:s19], $0x800  }
0x7a: {  	[sflag:s19] =	ssyncset.done @!p0 $0x0  }
0x7b: {  	s26 =	simm.s32 $0x0;
	s15 =	rddreg [dreg:$0xd];
	[sflag:s19] =	ssyncadd.s32 @!p0 $0xFFFFF800  }
0x7c: {  	[tilespmem:s26], [sflag:$0x7] =	stream.linear.gather [hbm4b:s15+s26], $0x2710, $0x38;
	[tilespmem:$0x1DB00] =	vst v63  }
0x7d: {  	_ =	swait.ge [sflag:s2], $0x2710  }
0x7e: {  	[sflag:s2] =	ssyncset.done $0x0  }
0x7f: {  	[sflag:s2] =	ssyncadd.s32 $0xFFFFD8F0  }
0x80: {  	[bflag:$0x0] =	sbarrier.arrive $0xFFFF  }
0x81: {  	s18 =	rddreg [dreg:$0xe]  }
0x82: {  	[tilespmem:s0], [sflag:$0x1] =	stream.linear.gather [hbm4b:s18+s26], $0x80, $0x38;
	[tilespmem:$0x1DB00] =	vst v63  }
0x83: {  	s19 =	rddreg [dreg:$0xf]  }
0x84: {  	[tilespmem:s8], [sflag:$0x1] =	stream.linear.gather [hbm4b:s19+s26], $0x50, $0x38;
	[tilespmem:$0x1DB00] =	vst v63  }
0x85: {  	_ = 	snop  }
0x86: {  	[tilespmem:s31], [sflag:$0x1] =	stream.indirect.gather [hbm4b:s1+s9], $0x80, s26, s9, $0xb8;
	[tilespmem:$0x1DB00] =	vst v63  }
0x87: {  	s25 =	rddreg [dreg:$0x16]  }
0x88: {  	[tilespmem:s10], [sflag:$0x2] =	stream.linear.gather [hbm4b:s25+s26], $0x80, $0x38;
	[tilespmem:$0x1DB00] =	vst v63  }
0x89: {  	s15 =	rddreg [dreg:$0x17]  }
0x8a: {  	[tilespmem:s11], [sflag:$0x2] =	stream.linear.gather [hbm4b:s15+s26], $0x50, $0x38;
	[tilespmem:$0x1DB00] =	vst v63  }
0x8b: {  	s28 =	rddreg [dreg:$0x15]  }
0x8c: {  	[tilespmem:s12], [sflag:$0x2] =	stream.indirect.gather [hbm4b:s1+s9], $0x80, s9, s9, $0xb8;
	[tilespmem:$0x1DB00] =	vst v63  }
0x8d: {  	s18 =	rddreg [dreg:$0x18]  }
0x8e: {  	[tilespmem:s13], [sflag:$0x3] =	stream.linear.gather [hbm4b:s18+s26], $0x80, $0x38;
	[tilespmem:$0x1DB00] =	vst v63  }
0x8f: {  	s19 =	rddreg [dreg:$0x19];
	s15 =	simm.s32 $0xA200  }
0x90: {  	[tilespmem:s15], [sflag:$0x3] =	stream.linear.gather [hbm4b:s19+s26], $0x50, $0x38;
	[tilespmem:$0x1DB00] =	vst v63  }
0x91: {  	s29 =	rddreg [dreg:$0x14];
	s25 =	simm.s32 $0xA0  }
0x92: {  	[tilespmem:s14], [sflag:$0x3] =	stream.indirect.gather [hbm4b:s1+s9], $0x80, s25, s9, $0xb8;
	[tilespmem:$0x1DB00] =	vst v63  }
0x93: {  	s30 =	rddreg [dreg:$0x13];
	s19 =	simm.s32 $0x280;
	s25 =	simm.s32 $0x190  }
.LBB2_4:
0x94: {  	_ =	swait.ge [sflag:s16], $0x80  }
0x95: {  	[sflag:s16] =	ssyncset.done $0x0  }
0x96: {  	[sflag:s16] =	ssyncadd.s32 $0xFFFFFF80  }
0x97: {  	_ =	swait.ge [sflag:s16], $0x50  }
0x98: {  	p1 =	seq.s32 s19, $0x4000;
	[sflag:s16] =	ssyncset.done $0x0  }
.Ltmp3:
0x99: {  	[sflag:s16] =	ssyncadd.s32 $0xFFFFFFB0;
	(pc) =	sbr.rel @p1 .LBB2_8-.Ltmp3, $4  }
0x9a: {  	_ =	swait.ge [sflag:s16], $0x2800  }
0x9b: {  	[sflag:s16] =	ssyncset.done $0x0  }
0x9c: {  	[sflag:s16] =	ssyncadd.s32 $0xFFFFD800  }
0x9d: {  	[spmem:s3] =	stream.indirect.scatter.add.f32 [tilespmem:s31], [sflag:$0x4], $0x80, s0, s9, $0xb8;
	[tilespmem:$0x1DB00] =	vst v63  }
0x9e: {  	s18 =	sadd.s32 $0xFFFFFF00, s19  }
0x9f: {  	s15 =	sand.u32 $0xFC00, s18  }
0xa0: {  	s18 =	sand.u32 $0x380, s18;
	s15 =	sadd.s32 s17, s15  }
0xa1: {  	_ =	swait.ge [sflag:s21], $0x2800;
	s15 =	sor.u32 s18, s15  }
0xa2: {  	[sflag:s21] =	ssyncset.done $0x0;
	s15 =	sshrl.u32 s15, $0x3  }
0xa3: {  	s7 =	sshrl.u32 s28, $0x3;
	[sflag:s21] =	ssyncadd.s32 $0xFFFFD800;
	s15 =	sadd.s32 s5, s15  }
0xa4: {  	[tilespmem:s0], [sflag:$0x1] =	stream.linear.gather [hbm4b:s15+s4], $0x80, $0x38;
	[tilespmem:$0x1DB00] =	vst v63  }
0xa5: {  	s15 =	sadd.s32 s6, s7  }
0xa6: {  	[tilespmem:s8], [sflag:$0x1] =	stream.linear.gather [hbm4b:s15+s4], $0x50, $0x38;
	[tilespmem:$0x1DB00] =	vst v63  }
0xa7: {  	s18 =	sadd.s32 $0xFFFFFF60, s25  }
0xa8: {  	[tilespmem:s31], [sflag:$0x1] =	stream.indirect.gather [hbm4b:s1+s9], $0x80, s18, s9, $0xb8;
	[tilespmem:$0x1DB00] =	vst v63  }
0xa9: {  	_ =	swait.ge [sflag:s20], $0x80  }
0xaa: {  	[sflag:s20] =	ssyncset.done $0x0  }
0xab: {  	[sflag:s20] =	ssyncadd.s32 $0xFFFFFF80  }
0xac: {  	_ =	swait.ge [sflag:s20], $0x50  }
0xad: {  	[sflag:s20] =	ssyncset.done $0x0  }
0xae: {  	[sflag:s20] =	ssyncadd.s32 $0xFFFFFFB0  }
0xaf: {  	s15 =	sadd.s32 $0xFFFFFF80, s19;
	_ =	swait.ge [sflag:s20], $0x2800  }
0xb0: {  	s7 =	sand.u32 $0xFC00, s15;
	[sflag:s20] =	ssyncset.done $0x0  }
0xb1: {  	s15 =	sand.u32 $0x380, s15;
	s18 =	sadd.s32 s17, s7;
	[sflag:s20] =	ssyncadd.s32 $0xFFFFD800  }
0xb2: {  	[spmem:s3] =	stream.indirect.scatter.add.f32 [tilespmem:s12], [sflag:$0x5], $0x80, s10, s9, $0xb8;
	[tilespmem:$0x1DB00] =	vst v63  }
0xb3: {  	s15 =	sor.u32 s15, s18;
	_ =	swait.ge [sflag:s22], $0x2800  }
0xb4: {  	s15 =	sshrl.u32 s15, $0x3;
	[sflag:s22] =	ssyncset.done $0x0  }
0xb5: {  	s15 =	sadd.s32 s5, s15;
	[sflag:s22] =	ssyncadd.s32 $0xFFFFD800  }
0xb6: {  	[tilespmem:s10], [sflag:$0x2] =	stream.linear.gather [hbm4b:s15+s4], $0x80, $0x38;
	[tilespmem:$0x1DB00] =	vst v63  }
0xb7: {  	_ = 	snop  }
0xb8: {  	[tilespmem:s11], [sflag:$0x2] =	stream.linear.gather [hbm4b:s29+s4], $0x50, $0x38;
	[tilespmem:$0x1DB00] =	vst v63  }
0xb9: {  	s18 =	sadd.s32 $0xFFFFFFB0, s25  }
0xba: {  	[tilespmem:s12], [sflag:$0x2] =	stream.indirect.gather [hbm4b:s1+s9], $0x80, s18, s9, $0xb8;
	[tilespmem:$0x1DB00] =	vst v63  }
0xbb: {  	_ =	swait.ge [sflag:s23], $0x80  }
0xbc: {  	[sflag:s23] =	ssyncset.done $0x0  }
0xbd: {  	[sflag:s23] =	ssyncadd.s32 $0xFFFFFF80  }
0xbe: {  	_ =	swait.ge [sflag:s23], $0x50  }
0xbf: {  	[sflag:s23] =	ssyncset.done $0x0  }
0xc0: {  	[sflag:s23] =	ssyncadd.s32 $0xFFFFFFB0  }
0xc1: {  	p1 =	sgt.u32 s26, $0x27;
	_ =	swait.ge [sflag:s23], $0x2800  }
0xc2: {  	s7 =	sand.u32 @!p1 $0x380, s19;
	s18 =	sand.u32 @!p1 $0xFC00, s19;
	[sflag:s23] =	ssyncset.done $0x0  }
0xc3: {  	s15 =	simm.s32 @!p1 $0x6;
	s18 =	sadd.s32 @!p1 s17, s18;
	[sflag:s23] =	ssyncadd.s32 $0xFFFFD800  }
0xc4: {  	[spmem:s3] =	stream.indirect.scatter.add.f32 [tilespmem:s14], [sflag:$0x6], $0x80, s13, s9, $0xb8;
	[tilespmem:$0x1DB00] =	vst v63  }
0xc5: {  	s7 =	sor.u32 @!p1 s7, s18;
	_ =	swait.ge @!p1 [sflag:s15], $0x2800  }
0xc6: {  	s18 =	simm.s32 @!p1 $0xA080;
	s7 =	sshrl.u32 @!p1 s7, $0x3;
	[sflag:s15] =	ssyncset.done @!p1 $0x0  }
0xc7: {  	s7 =	sadd.s32 @!p1 s5, s7;
	[sflag:s15] =	ssyncadd.s32 @!p1 $0xFFFFD800;
	s15 =	simm.s32 @!p1 $0x0  }
0xc8: {  	[tilespmem:s18], [sflag:$0x3] =	stream.linear.gather @!p1 [hbm4b:s7+s15], $0x80, $0x38;
	[tilespmem:$0x1DB00] =	vst v63  }
0xc9: {  	s7 =	simm.s32 @!p1 $0xA200  }
0xca: {  	[tilespmem:s7], [sflag:$0x3] =	stream.linear.gather @!p1 [hbm4b:s30+s15], $0x50, $0x38;
	[tilespmem:$0x1DB00] =	vst v63  }
0xcb: {  	s19 =	sadd.s32 $0x180, s19;
	s7 =	simm.s32 @!p1 $0x50;
	s15 =	simm.s32 @!p1 $0x7780  }
0xcc: {  	[tilespmem:s15], [sflag:$0x3] =	stream.indirect.gather @!p1 [hbm4b:s1+s7], $0x80, s25, s7, $0xb8;
	[tilespmem:$0x1DB00] =	vst v63  }
0xcd: {  	p1 =	sne.s32 s19, $0x4180  }
.Ltmp4:
0xce: {  	_ = 	snop;
	(pc) =	sbr.rel @p1 .LBB2_4-.Ltmp4, $4  }
.Ltmp5:
0xcf: {  	_ = 	snop;
	(pc) =	sbr.rel @!p1 .LBB2_6-.Ltmp5, $4  }
0xd0: {  	_ = 	snop  }
0xd1: {  	s26 =	sadd.s32 $0x1, s26;
	s28 =	sadd.s32 $0xF0, s28  }
0xd2: {  	s29 =	sadd.s32 $0x1E, s29;
	s30 =	sadd.s32 $0x1E, s30;
	s25 =	sadd.s32 $0xF0, s25  }
0xd3: {  	_ = 	snop  }
.LBB2_7:
0xd4: {  	_ =	sfence.sel $0x180000  }
0xd5: {  	[bflag:$0x0] =	sbarrier.arrive $0xFFFF  }
0xd6: {  	_ =	strace $0x9000004A  }
0xd7: {  	[bflag:$0x2] =	sbarrier.arrive $0xFFFF  }
0xd8: {  	s0 =	rddreg [dreg:$0x3]  }
0xd9: {  	s0 =	sadd.s32 @!p0 $0x100000, s0  }
0xda: {  	[sflag:s0] =	ssyncadd.tile.s32 @!p0 $0x1;
	_ =	shalt  }
.Lfunc_end2:
_tile_overlayer_lowered:
.L_overlay_start_2:
0xdb: {  	(tag) =	ssettag $0x2  }
0xdc: {  	s0 =	rddreg [dreg:$0x0];
	s2 =	stileid.u32  }
0xdd: {  	s1 =	rddreg [dreg:$0x1];
	p0 =	sne.s32 s2, $0x0  }
0xde: {  	s3 =	rddreg [dreg:$0x2];
	[bflag:$0x3] =	sbarrier.arrive $0xFFFF;
	s2 =	simm.s32 @!p0 $0x1C07  }
0xdf: {  	[timem:s3], [sflag:s2] =	dma.local @!p0 [hbm:s0], s1  }
0xe0: {  	s0 =	simm.s32 @!p0 $0x7  }
0xe1: {  	_ =	swait.ge @!p0 [sflag:s0], s1  }
0xe2: {  	s1 =	ssub.s32 @!p0 $0x0, s1;
	[sflag:s0] =	ssyncset.done @!p0 $0x0  }
0xe3: {  	[sflag:s0] =	ssyncadd.s32 @!p0 s1  }
0xe4: {  	[bflag:$0x3] =	sbarrier.arrive $0xFFFF  }
0xe5: {  	_ =	shalt  }

// kernel: kernel.7.cloned.1.call-start
scs
__scs_entry_jumppad:
0x0: {  	(pc) =	sbr.rel $0x88, $3  }
0x1: {  	(tag) =	ssettag $0x0;
	lr =	simm.s32 $0x1  }
0x2: {  	[smem:$0x3F9D] =	sst lr;
	_ =	strace $0xD0000000  }
0x3: {  	_ = 	snop  }
0x4: {  	_ = 	snop  }
0x5: {  	_ = 	snop  }
0x6: {  	_ = 	snop  }
0x7: {  	_ = 	snop  }
__scs_overlays_trampoline_lowered:
0x8: {  	[smem:$0x3FAC] =	sst s0  }
0x9: {  	[smem:$0x3FAD] =	sst s1  }
0xa: {  	[smem:$0x3FAE] =	sst s2  }
0xb: {  	[smem:$0x3FAF] =	sst s3  }
0xc: {  	[smem:$0x3FB0] =	sst s4  }
0xd: {  	[smem:$0x3FB1] =	sst s5  }
0xe: {  	[smem:$0x3FB2] =	sst s6  }
0xf: {  	[smem:$0x3FB3] =	sst s7  }
0x10: {  	[smem:$0x3FB4] =	sst s8  }
0x11: {  	[smem:$0x3FB5] =	sst s9;
	s0 =	simm.s32 @!p0 $0x0  }
0x12: {  	s1 =	sld [smem:$0x3F9B];
	s0 =	simm.s32 @p0 $0x1  }
0x13: {  	[smem:$0x3FB6] =	sst s0;
	s0 =	simm.s32 @!p1 $0x0  }
0x14: {  	s2 =	sld [smem:$0x3F9A];
	s0 =	simm.s32 @p1 $0x1  }
0x15: {  	[smem:$0x3FB7] =	sst s0;
	s0 =	simm.s32 @!p2 $0x0  }
0x16: {  	s3 =	sld [smem:$0x3FDB];
	s0 =	simm.s32 @p2 $0x1  }
0x17: {  	s4 =	simm.s32 $0x1BF5;
	[smem:$0x3FB9] =	sst s0  }
0x18: {  	s0 =	sld [smem:$0x3F9C];
	_ =	swait.ge [sflag:s4], $0x0  }
0x19: {  	s7 =	sld [smem:$0x3F9D]  }
0x1a: {  	s8 =	sadd.s32 $0xFFFFE003, lr  }
0x1b: {  	s9 =	sadd.s32 $0xFFFFFEF7, lr;
	s5 =	simm.s32 $0xFFFFFFFF;
	p2 =	slt.u32 s8, $0xFFFFF086  }
0x1c: {  	p1 =	slt.u32 s9, $0xF7A;
	s5 =	simm.s32 @!p2 $0x0  }
0x1d: {  	s5 =	simm.s32 @p1 $0x1;
	p0 =	seq.s32 s7, s2  }
0x1e: {  	s7 =	smul.u32 @!p0 $0xF7A, s2;
	p2 =	seq.s32 @!p0 s5, $0x0  }
0x1f: {  	s9 =	smul.u32 $0xF7A, s1;
	s8 =	simm.s32 @!p0 $0x1BF5;
	p2 =	por !p2, p0  }
0x20: {  	[sflag:s8] =	ssyncset.s32 @!p0 $0xFFFFF086;
	s6 =	sadd.s32 @!p0 s3, s7;
	s7 =	simm.s32 @!p0 $0x108  }
0x21: {  	s3 =	sadd.s32 s3, s9;
	s6 =	sadd.s32 @!p0 $0x88, s6;
	s7 =	simm.s32 @p2 $0x1082  }
0x22: {  	[simem:s7], [sflag:s8] =	dma.local @!p0 [hbm:s6], $0xF7A  }
0x23: {  	s9 =	sor.u32 $0xD0000000, s2;
	s6 =	simm.s32 $0x108;
	_ =	swait.ge @!p0 [sflag:s8], $0x0  }
0x24: {  	s3 =	sadd.s32 $0x88, s3;
	s6 =	simm.s32 @!p1 $0x1082;
	[sflag:s4] =	ssyncset.s32 $0xFFFFF086  }
0x25: {  	[simem:s6], [sflag:s4] =	dma.local [hbm:s3], $0xF7A  }
0x26: {  	[smem:$0x3F9D] =	sst s1;
	(tag) =	ssettag s2;
	_ =	strace s9  }
0x27: {  	s1 =	sld [smem:$0x3FAD]  }
0x28: {  	s2 =	sld [smem:$0x3FAE]  }
0x29: {  	s4 =	sld [smem:$0x3FB0]  }
0x2a: {  	p0 =	seq.s32 s5, $0x0;
	s5 =	sld [smem:$0x3FB1]  }
0x2b: {  	s6 =	sld [smem:$0x3FB2]  }
0x2c: {  	s7 =	sld [smem:$0x3FB3]  }
0x2d: {  	s3 =	simm.s32 $0x108;
	s8 =	sld [smem:$0x3FB4]  }
0x2e: {  	s3 =	simm.s32 @!p0 $0x1082;
	s9 =	sld [smem:$0x3FB5]  }
0x2f: {  	lr =	sadd.s32 s0, s3;
	s0 =	sld [smem:$0x3FAC]  }
0x30: {  	s3 =	sld [smem:$0x3FAF]  }
0x31: {  	[smem:$0x3FB8] =	sst s10  }
0x32: {  	s10 =	sld [smem:$0x3FB6];
	_ =	sdelay $0x3  }
0x33: {  	p0 =	seq.s32 s10, $0x1;
	s10 =	sld [smem:$0x3FB8];
	_ =	sdelay $0x3  }
0x34: {  	[smem:$0x3FB8] =	sst s10  }
0x35: {  	s10 =	sld [smem:$0x3FB7];
	_ =	sdelay $0x3  }
0x36: {  	p1 =	seq.s32 s10, $0x1;
	s10 =	sld [smem:$0x3FB8];
	_ =	sdelay $0x3  }
0x37: {  	[smem:$0x3FB8] =	sst s10  }
0x38: {  	s10 =	sld [smem:$0x3FB9]  }
0x39: {  	_ = 	snop;
	(pc) =	sbr.ind lr, $3  }
0x3a: {  	_ = 	snop  }
0x3b: {  	_ = 	snop  }
0x3c: {  	p2 =	seq.s32 s10, $0x1;
	s10 =	sld [smem:$0x3FB8]  }
0x3d: {  	_ =	shalt  }
0x3e: {  	_ =	shalt  }
0x3f: {  	_ =	shalt  }
0x40: {  	_ =	shalt  }
0x41: {  	_ =	shalt  }
0x42: {  	_ =	shalt  }
0x43: {  	_ =	shalt  }
0x44: {  	_ =	shalt  }
0x45: {  	_ =	shalt  }
0x46: {  	_ =	shalt  }
0x47: {  	_ =	shalt  }
0x48: {  	_ =	shalt  }
0x49: {  	_ =	shalt  }
0x4a: {  	_ =	shalt  }
0x4b: {  	_ =	shalt  }
0x4c: {  	_ =	shalt  }
0x4d: {  	_ =	shalt  }
0x4e: {  	_ =	shalt  }
0x4f: {  	_ =	shalt  }
0x50: {  	_ =	shalt  }
0x51: {  	_ =	shalt  }
0x52: {  	_ =	shalt  }
0x53: {  	_ =	shalt  }
0x54: {  	_ =	shalt  }
0x55: {  	_ =	shalt  }
0x56: {  	_ =	shalt  }
0x57: {  	_ =	shalt  }
0x58: {  	_ =	shalt  }
0x59: {  	_ =	shalt  }
0x5a: {  	_ =	shalt  }
0x5b: {  	_ =	shalt  }
0x5c: {  	_ =	shalt  }
0x5d: {  	_ =	shalt  }
0x5e: {  	_ =	shalt  }
0x5f: {  	_ =	shalt  }
0x60: {  	_ =	shalt  }
0x61: {  	_ =	shalt  }
0x62: {  	_ =	shalt  }
0x63: {  	_ =	shalt  }
0x64: {  	_ =	shalt  }
0x65: {  	_ =	shalt  }
0x66: {  	_ =	shalt  }
0x67: {  	_ =	shalt  }
0x68: {  	_ =	shalt  }
0x69: {  	_ =	shalt  }
0x6a: {  	_ =	shalt  }
0x6b: {  	_ =	shalt  }
0x6c: {  	_ =	shalt  }
0x6d: {  	_ =	shalt  }
0x6e: {  	_ =	shalt  }
0x6f: {  	_ =	shalt  }
0x70: {  	_ =	shalt  }
0x71: {  	_ =	shalt  }
0x72: {  	_ =	shalt  }
0x73: {  	_ =	shalt  }
0x74: {  	_ =	shalt  }
0x75: {  	_ =	shalt  }
0x76: {  	_ =	shalt  }
0x77: {  	_ =	shalt  }
0x78: {  	_ =	shalt  }
0x79: {  	_ =	shalt  }
0x7a: {  	_ =	shalt  }
0x7b: {  	_ =	shalt  }
0x7c: {  	_ =	shalt  }
0x7d: {  	_ =	shalt  }
0x7e: {  	_ =	shalt  }
0x7f: {  	_ =	shalt  }
0x80: {  	_ =	shalt  }
0x81: {  	_ =	shalt  }
0x82: {  	_ =	shalt  }
0x83: {  	_ =	shalt  }
0x84: {  	_ =	shalt  }
0x85: {  	_ =	shalt  }
0x86: {  	_ =	shalt  }
0x87: {  	_ =	shalt  }
.Lfunc_end0:
.L_simem_size_0:
called_computation_lowered:
.L_overlay_start_0:
0x88: {  	s2 =	sld [smem:$0x3FD9]  }
0x89: {  	s3 =	sld [smem:$0x3FFE];
	_ =	sdelay $0x1  }
0x8a: {  	s1 =	srdreg.scid  }
0x8b: {  	s0 =	sand.u32 $0x1, s1  }
0x8c: {  	s16 =	sshll.u32 s0, $0xA;
	s2 =	sadd.s32 s3, s2  }
0x8d: {  	s2 =	sadd.s32 s2, s16  }
0x8e: {  	[smem:$0x3FC4] =	sst s2  }
0x8f: {  	_ = 	snop  }
0x90: {  	(tm) =	ssettm $0x1  }
0x91: {  	s17 =	sld [smem:$0x3FFB];
	_ =	sdelay $0x3  }
0x92: {  	_ =	strace s17  }
0x93: {  	s2 =	sld [smem:$0x3FFC];
	_ =	sdelay $0x3  }
0x94: {  	_ =	strace s2  }
0x95: {  	s2 =	sld [smem:$0x3FFD];
	_ =	sdelay $0x3  }
0x96: {  	_ =	strace s2  }
0x97: {  	_ =	strace $0x8FFFFFFF  }
0x98: {  	s18 =	sld [smem:$0x3FDB];
	_ =	sdelay $0x1  }
0x99: {  	s19 =	simm.s32 $_scs_section_size  }
0x9a: {  	s4 =	simm.s32 $_size__tile_overlayer_lowered;
	s5 =	simm.s32 $_tile_overlayer_lowered  }
0x9b: {  	s22 =	simm.s32 $0x1BFF;
	s21 =	sshll.u32 s5, $0x1;
	s2 =	sadd.s32 s19, s18  }
0x9c: {  	s6 =	simm.s32 $0x0;
	s20 =	sshll.u32 s4, $0x1;
	s4 =	sadd.s32 s21, s2  }
0x9d: {  	[timem:s6], [sflag:s22] =	dma.local [hbm:s4], s20  }
0x9e: {  	_ =	swait.ge [sflag:s22], s20  }
0x9f: {  	s3 =	ssub.s32 $0x0, s20;
	[sflag:s22] =	ssyncset.done $0x0  }
0xa0: {  	[sflag:s22] =	ssyncadd.s32 s3;
	_ =	sdelay $0x1  }
0xa1: {  	s23 =	simm.s32 $0x1B8B  }
0xa2: {  	_ =	swait.ge [sflag:s23], $0x1  }
0xa3: {  	[sflag:s23] =	ssyncset.done $0x0  }
0xa4: {  	s25 =	simm.s32 $0x1B8E;
	s24 =	sld [smem:$0x3FFE];
	[sflag:s23] =	ssyncadd.s32 $0xFFFFFFFF  }
0xa5: {  	s26 =	simm.s32 $execute0_lowered;
	[smem:$0x3FD2] =	sst s25  }
0xa6: {  	s4 =	sshll.u32 s26, $0x1;
	_ =	strace $0x80000046;
	[dreg:$0x1] =	wrdreg $0xFFFFFFFF  }
0xa7: {  	s28 =	simm.s32 $_size_execute0_lowered;
	s2 =	sadd.s32 s2, s4;
	[dreg:$0x0] =	wrdreg $0x0  }
0xa8: {  	s4 =	sshll.u32 s28, $0x1;
	[dreg:$0x2] =	wrdreg s2  }
0xa9: {  	[dreg:$0x3] =	wrdreg s4  }
0xaa: {  	[dreg:$0x4] =	wrdreg $0xC0  }
0xab: {  	_ =	task [dreg:s6], $0x5FFFF  }
0xac: {  	[dreg:$0x1] =	wrdreg $0xFFFFFFFF  }
0xad: {  	[dreg:$0x0] =	wrdreg $0x60  }
0xae: {  	[dreg:$0x2] =	wrdreg s24  }
0xaf: {  	[dreg:$0x3] =	wrdreg $0x9  }
0xb0: {  	_ =	task.clear_ibuf [dreg:s6], $0x4FFFF;
	_ =	strace $0x90000046  }
0xb1: {  	s29 =	simm.s32 $0x9;
	_ =	strace $0x80000048  }
0xb2: {  	_ =	swait.ge [sflag:s29], $0x1  }
0xb3: {  	[sflag:s29] =	ssyncadd.s32 $0xFFFFFFFF  }
0xb4: {  	_ =	strace $0x90000048  }
0xb5: {  	_ =	sfence  }
0xb6: {  	s30 =	sld [smem:$0x0];
	_ =	sdelay $0x2  }
0xb7: {  	s31 =	sshll.u32 s1, $0xD;
	s1 =	sshrl.u32 s1, $0x2  }
0xb8: {  	s3 =	sand.u32 $0x4000, s31;
	s1 =	sadd.s32 s1, s30  }
0xb9: {  	s0 =	sor.u32 s3, s0;
	s1 =	sshll.u32 s1, $0x11  }
0xba: {  	s0 =	sor.u32 s1, s0  }
0xbb: {  	s0 =	sadd.s32 $0x8F2B, s0  }
0xbc: {  	[sflag:s0] =	ssyncadd.remote.s32 $0x1  }
0xbd: {  	_ =	sfence.sel $0xFFFF  }
0xbe: {  	[dreg:$0x0] =	wrdreg $0xFFFFFFFF;
	(pc) =	sbr.abs _section_cstart, $3  }
0xbf: {  	[dreg:$0x1] =	wrdreg $0xFFFFFFFF  }
0xc0: {  	_ =	task.clear_ibuf [dreg:s6], $0x2FFFF;
	_ =	strace $0x9FFFFFFF  }
0xc1: {  	(tm) =	ssettm $0x7FFFFFFF  }
tec
execute0_lowered:
.L_overlay_start_1:
0x0: {  	(tag) =	ssettag $0x1  }
0x1: {  	s1 =	srdreg.scid  }
0x2: {  	s0 =	stileid.u32;
	s4 =	rddreg [dreg:$0x0]  }
0x3: {  	s2 =	simm.s32 $0x0;
	s9 =	simm.s32 $0x1;
	s10 =	simm.s32 $0x2780  }
0x4: {  	s11 =	simm.s32 $0x4F00;
	s12 =	simm.s32 $0x7680;
	s13 =	simm.s32 $0x9E00  }
0x5: {  	s14 =	simm.s32 $0x0;
	s3 =	sand.u32 $0x1, s1;
	s5 =	sshll.u32 s0, $0x1  }
0x6: {  	s1 =	rddreg [dreg:$0x1];
	s5 =	sor.u32 s3, s5;
	s6 =	ssub.s32 $0x2, s3  }
0x7: {  	[smem:$0x7FF] =	sst s2;
	s5 =	smul.u32 $0x4E2, s5;
	s31 =	sshrl.u32 s6, $0x1  }
0x8: {  	_ =	strace $0x80000047;
	s3 =	sadd.s32 $0x14400, s4;
	s8 =	ssub.s32 s6, s31  }
0x9: {  	s7 =	sadd.s32 s5, s4;
	s4 =	sadd.s32 $0x14A00, s4;
	s8 =	smax.u32 s8, $0x1  }
0xa: {  	s5 =	sadd.s32 $0x800, s7;
	s6 =	sadd.s32 $0xA600, s7;
	s7 =	sadd.s32 $0x15000, s7  }
.LBB2_1:
0xb: {  	[tilespmem:s2], [sflag:$0x1] =	stream.linear.gather [hbm4b:s3+s2], $0x2780, $0x38;
	[tilespmem:$0xC580] =	vst v63  }
0xc: {  	_ =	swait.ge [sflag:s9], $0x2780  }
0xd: {  	[sflag:s9] =	ssyncset.done $0x0  }
0xe: {  	[sflag:s9] =	ssyncadd.s32 $0xFFFFD880  }
0xf: {  	[tilespmem:s10], [sflag:$0x1] =	stream.linear.gather [hbm4b:s4+s2], $0x2780, $0x38;
	[tilespmem:$0xC580] =	vst v63  }
0x10: {  	_ =	swait.ge [sflag:s9], $0x2780  }
0x11: {  	[sflag:s9] =	ssyncset.done $0x0  }
0x12: {  	[sflag:s9] =	ssyncadd.s32 $0xFFFFD880  }
0x13: {  	[tilespmem:s11], [sflag:$0x1] =	stream.linear.gather [hbm4b:s5+s2], $0x2710, $0x38;
	[tilespmem:$0xC580] =	vst v63  }
0x14: {  	_ =	swait.ge [sflag:s9], $0x2710  }
0x15: {  	[sflag:s9] =	ssyncset.done $0x0  }
0x16: {  	[sflag:s9] =	ssyncadd.s32 $0xFFFFD8F0  }
0x17: {  	[tilespmem:s12], [sflag:$0x1] =	stream.linear.gather [hbm4b:s6+s2], $0x2710, $0x38;
	[tilespmem:$0xC580] =	vst v63  }
0x18: {  	_ =	swait.ge [sflag:s9], $0x2710  }
0x19: {  	[sflag:s9] =	ssyncset.done $0x0  }
0x1a: {  	s15 =	simm.s32 $0x0;
	[sflag:s9] =	ssyncadd.s32 $0xFFFFD8F0  }
0x1b: {  	v0 =	vld [tilespmem:s15+$0x7680]  }
0x1c: {  	v2 =	vld [tilespmem:s15+$0x4F00];
	_ =	sdelay $0x6  }
0x1d: {  	v1 =	vld.idx.msk [tilespmem:v0+s10+$0x0], $0xffff  }
0x1e: {  	v2 =	vld.idx.msk [tilespmem:v2+s2+$0x0], $0xffff;
	_ =	sdelay $0x1  }
0x1f: {  	s16 =	simm.s32 $0x10  }
0x20: {  	s17 =	simm.s32 $0x80;
	v0 =	vld [tilespmem:s16+$0x7680]  }
.LBB2_2:
0x21: {  	p0 =	sne.s32 s17, $0x9C00;
	v3 =	vld [tilespmem:s16+$0x4F00]  }
0x22: {  	v1 =	vadd.f32 v1, v2;
	_ =	sdelay $0x1  }
0x23: {  	v2 =	vsub.f32 $0.0e+00, v1;
	v4 =	vmul.f32 $-2.000000030e-01, v1  }
0x24: {  	vm0 =	vgt.f32 v1, $0.0e+00  }
0x25: {  	v1 =	vsel vm0, v2, v4  }
0x26: {  	[tilespmem:s15+$0x9E00] =	vst v1;
	s15 =	smov.u32 s16  }
0x27: {  	v1 =	vld.idx.msk [tilespmem:v0+s10+$0x0], $0xffff  }
.Ltmp0:
0x28: {  	v2 =	vld.idx.msk [tilespmem:v3+s2+$0x0], $0xffff;
	(pc) =	sbr.rel @p0 .LBB2_2-.Ltmp0, $3  }
0x29: {  	_ =	sdelay $0x1  }
0x2a: {  	s16 =	sshra.s32 s17, $0x2  }
0x2b: {  	s17 =	sadd.s32 $0x40, s17;
	v0 =	vld [tilespmem:s16+$0x7680]  }
0x2c: {  	_ = 	snop  }
0x2d: {  	v3 =	vld [tilespmem:s16+$0x4F00]  }
0x2e: {  	v1 =	vadd.f32 v1, v2;
	_ =	sdelay $0x1  }
0x2f: {  	v2 =	vsub.f32 $0.0e+00, v1;
	v4 =	vmul.f32 $-2.000000030e-01, v1  }
0x30: {  	vm0 =	vgt.f32 v1, $0.0e+00  }
0x31: {  	v1 =	vsel vm0, v2, v4  }
0x32: {  	[tilespmem:s15+$0x9E00] =	vst v1  }
0x33: {  	v0 =	vld.idx.msk [tilespmem:v0+s10+$0x0], $0xffff  }
0x34: {  	v1 =	vld.idx.msk [tilespmem:v3+s2+$0x0], $0xffff;
	_ =	sdelay $0x4  }
0x35: {  	v0 =	vadd.f32 v0, v1;
	_ =	sdelay $0x1  }
0x36: {  	v1 =	vsub.f32 $0.0e+00, v0;
	v63 =	vmul.f32 $-2.000000030e-01, v0  }
0x37: {  	s14 =	sadd.s32 $0x1, s14;
	vm15 =	vgt.f32 v0, $0.0e+00  }
0x38: {  	p0 =	sne.s32 s14, s8;
	v0 =	vsel vm15, v1, v63  }
.Ltmp1:
0x39: {  	[tilespmem:s16+$0x9E00] =	vst v0;
	(pc) =	sbr.rel @p0 .LBB2_1-.Ltmp1, $4  }
0x3a: {  	[hbm4b:s7+s2] =	stream.linear.scatter [tilespmem:s13], [sflag:$0x1], $0x2710, $0x38;
	[tilespmem:$0xC580] =	vst v63  }
0x3b: {  	_ =	swait.ge [sflag:s9], $0x2710  }
0x3c: {  	[sflag:s9] =	ssyncset.done $0x0  }
0x3d: {  	[sflag:s9] =	ssyncadd.s32 $0xFFFFD8F0  }
0x3e: {  	_ =	sfence.sel $0x180000  }
0x3f: {  	[bflag:$0x0] =	sbarrier.arrive $0xFFFF  }
0x40: {  	p0 =	sne.s32 s0, $0x0;
	_ =	strace $0x90000047  }
0x41: {  	s0 =	sadd.s32 @!p0 $0x100000, s1;
	[bflag:$0x2] =	sbarrier.arrive $0xFFFF  }
0x42: {  	[sflag:s0] =	ssyncadd.tile.s32 @!p0 $0x1;
	_ =	shalt  }
.Lfunc_end2:
_tile_overlayer_lowered:
.L_overlay_start_2:
0x43: {  	(tag) =	ssettag $0x2  }
0x44: {  	s0 =	rddreg [dreg:$0x0];
	s2 =	stileid.u32  }
0x45: {  	s1 =	rddreg [dreg:$0x1];
	p0 =	sne.s32 s2, $0x0  }
0x46: {  	s3 =	rddreg [dreg:$0x2];
	[bflag:$0x3] =	sbarrier.arrive $0xFFFF;
	s2 =	simm.s32 @!p0 $0x1C01  }
0x47: {  	[timem:s3], [sflag:s2] =	dma.local @!p0 [hbm:s0], s1  }
0x48: {  	s0 =	simm.s32 @!p0 $0x1  }
0x49: {  	_ =	swait.ge @!p0 [sflag:s0], s1  }
0x4a: {  	s1 =	ssub.s32 @!p0 $0x0, s1;
	[sflag:s0] =	ssyncset.done @!p0 $0x0  }
0x4b: {  	[sflag:s0] =	ssyncadd.s32 @!p0 s1  }
0x4c: {  	[bflag:$0x3] =	sbarrier.arrive $0xFFFF  }
0x4d: {  	_ =	shalt  }

</sc_bundles>
